<compile_context>
chip_gen: v7x
topology: tpu7x:2x2x1
jax: 0.10.2.dev20260603
libtpu: 0.0.44.dev20260713+nightly
codegen_flags: <defaults>
</compile_context>

<pallas_src>
import functools

import jax
import jax.numpy as jnp
from jax import lax
from jax.experimental import pallas as pl
from jax.experimental.pallas import tpu as pltpu
from jax.experimental.pallas import tpu_sc as plsc

NC = 2
NS = 16
NW = NC * NS

CHUNK = 128


NBUF = 5


def _gather_body(n_chunks, idx_hbm, table_hbm, out_hbm, idx_v, bufs, gsem, wsem):
    wid = lax.axis_index("s") * NC + lax.axis_index("c")
    per_w = n_chunks * CHUNK
    base = wid * per_w
    pltpu.sync_copy(idx_hbm.at[pl.ds(base, per_w)], idx_v)

    def gather_cp(c, j):
        idx_slice = idx_v.at[pl.ds(pl.multiple_of(c * CHUNK, CHUNK), CHUNK)]
        return pltpu.make_async_copy(table_hbm.at[idx_slice], bufs.at[j], gsem.at[j])

    def wb_cp(c, j):
        off = pl.multiple_of(base + c * CHUNK, CHUNK)
        return pltpu.make_async_copy(bufs.at[j], out_hbm.at[pl.ds(off, CHUNK)], wsem.at[j])

    gather_cp(0, 0).start()

    def outer(i, _):
        g = i * NBUF
        for j in range(NBUF):
            c = g + j
            nxt = c + 1
            bn = (j + 1) % NBUF

            @pl.when((nxt >= NBUF) & (nxt < n_chunks))
            def _():
                wb_cp(nxt - NBUF, bn).wait()

            @pl.when(nxt < n_chunks)
            def _():
                gather_cp(nxt, bn).start()

            gather_cp(c, j).wait()
            wb_cp(c, j).start()
        return 0

    lax.fori_loop(0, n_chunks // NBUF, outer, 0)

    for c in range(n_chunks - NBUF, n_chunks):
        wb_cp(c, c % NBUF).wait()


def kernel(indices, table):
    batch, hist = indices.shape
    vocab, embed = table.shape
    total = batch * hist
    assert total % (NW * CHUNK) == 0
    n_chunks = total // (NW * CHUNK)

    idx_flat = indices.reshape(total).astype(jnp.int32)

    mesh = plsc.VectorSubcoreMesh(core_axis_name="c", subcore_axis_name="s")
    run = pl.kernel(
        functools.partial(_gather_body, n_chunks),
        out_type=jax.ShapeDtypeStruct((total, embed), jnp.float32),
        mesh=mesh,
        scratch_types=[
            pltpu.VMEM((n_chunks * CHUNK,), jnp.int32),
            pltpu.VMEM((NBUF, CHUNK, embed), jnp.float32),
            pltpu.SemaphoreType.DMA((NBUF,)),
            pltpu.SemaphoreType.DMA((NBUF,)),
        ],
    )
    out = run(idx_flat, table)
    return out.reshape(batch, hist, embed)

# --- scband reference (transcript-rebuilt; emitter-appended) ---
"""Pipeline reference for scband-gru-encoder-26147760898107 (READ-ONLY COPY).

The authoritative reference and input builder live on the scoring server;
editing this copy changes nothing except your own understanding.
"""

import jax, jax.numpy as jnp
import numpy as np

VOCAB = 100000
EMBED = 128
BATCH = 4096
HIST = 50

def setup_inputs(seed: int = 0) -> dict:
    key = jax.random.key(seed)
    k_idx, k_tab = jax.random.split(key)
    indices = jax.random.randint(k_idx, (BATCH, HIST), 0, VOCAB, dtype=jnp.int64 if jax.config.read('jax_enable_x64') else jnp.int32)
    table = jax.random.normal(k_tab, (VOCAB, EMBED), dtype=jnp.float32)
    return {"indices": indices, "table": table}

def reference(indices, table):
    # GRU_Encoder.forward is a stub (pass); the only defined computation is the
    # nn.Embedding lookup, which we implement faithfully: table[indices].
    return jnp.take(table, indices, axis=0)

if __name__ == "__main__":
    import jax
    _d = setup_inputs()
    print(jax.jit(kernel)(*tuple(_d.values())))

</pallas_src>

<mosaic_0001>
#map = affine_map<(d0, d1) -> (0)>
#map1 = affine_map<(d0, d1) -> (0, 0)>
module attributes {stable_mosaic.version = 14 : i64} {
  func.func @_gather_body(%arg0: i32, %arg1: i32, %arg2: memref<204800xi32, #tpu.memory_space<hbm>>, %arg3: memref<100000x128xf32, #tpu.memory_space<hbm>>, %arg4: memref<204800x128xf32, #tpu.memory_space<hbm>>, %arg5: memref<6400xi32, #tpu.memory_space<vmem>>, %arg6: memref<5x128x128xf32, #tpu.memory_space<vmem>>, %arg7: memref<5x!tpu.dma_semaphore, #tpu.memory_space<semaphore_mem>>, %arg8: memref<5x!tpu.dma_semaphore, #tpu.memory_space<semaphore_mem>>) attributes {dimension_semantics = [#tpu.dimension_semantics<core_parallel>, #tpu.dimension_semantics<subcore_parallel>], iteration_bounds = array<i64: 2, 16>, scalar_prefetch = 0 : i64, scratch_operands = 4 : i64, tpu.core_type = #tpu.core_type<sc_vector_subcore>, window_params = [{transform_indices = #map}, {transform_indices = #map1}, {transform_indices = #map1}]} {
    %mul3A = arith.constant 2 : i32
    %mul3A_0 = arith.muli %arg1, %mul3A : i32
    %add3A = arith.addi %mul3A_0, %arg0 : i32
    %mul3A_1 = arith.constant 6400 : i32
    %mul3A_2 = arith.muli %add3A, %mul3A_1 : i32
    "tpu.region"() ({
      %run_scoped3A = tpu.sem_alloc : memref<!tpu.dma_semaphore, #tpu.memory_space<semaphore_mem>>
      %dma_start3A_115 = tpu.memref_slice %arg2[%mul3A_2] : memref<204800xi32, #tpu.memory_space<hbm>> -> memref<6400xi32, #tpu.memory_space<hbm>>
      %dma_start3A_116 = tpu.memref_slice %arg2[%mul3A_2] : memref<204800xi32, #tpu.memory_space<hbm>> -> memref<6400xi32, #tpu.memory_space<hbm>>
      tpu.enqueue_dma source(%dma_start3A_116 : memref<6400xi32, #tpu.memory_space<hbm>>) target(%arg5 : memref<6400xi32, #tpu.memory_space<vmem>>) target_semaphore(%run_scoped3A : memref<!tpu.dma_semaphore, #tpu.memory_space<semaphore_mem>>)
      %dma_wait3A_117 = tpu.memref_slice %arg2[%mul3A_2] : memref<204800xi32, #tpu.memory_space<hbm>> -> memref<6400xi32, #tpu.memory_space<hbm>>
      %dma_wait3A_118 = tpu.memref_slice %arg2[%mul3A_2] : memref<204800xi32, #tpu.memory_space<hbm>> -> memref<6400xi32, #tpu.memory_space<hbm>>
      tpu.wait_dma2 semaphore(%run_scoped3A : memref<!tpu.dma_semaphore, #tpu.memory_space<semaphore_mem>>) src(%dma_wait3A_118 : memref<6400xi32, #tpu.memory_space<hbm>>) dst(%arg5 : memref<6400xi32, #tpu.memory_space<vmem>>)
      tpu.yield
    }) : () -> ()
    %multiple_of3A = arith.constant 0 : i32
    %multiple_of3A_3 = tpu.assume_multiple %multiple_of3A, 128 : i32
    %dma_start3A = arith.constant 0 : i32
    %dma_start3A_4 = arith.constant 0 : i32
    %dma_start3A_5 = arith.constant 0 : i32
    %dma_start3A_6 = arith.constant 0 : i32
    %dma_start3A_7 = tpu.memref_slice %arg6[%dma_start3A, %dma_start3A_5, %dma_start3A_6] : memref<5x128x128xf32, #tpu.memory_space<vmem>> -> memref<1x128x128xf32, #tpu.memory_space<vmem>>
    %dma_start3A_8 = tpu.memref_squeeze %dma_start3A_7 : memref<1x128x128xf32, #tpu.memory_space<vmem>> -> memref<128x128xf32, #tpu.memory_space<vmem>>
    %dma_start3A_9 = tpu.memref_slice %arg5[%multiple_of3A_3] : memref<6400xi32, #tpu.memory_space<vmem>> -> memref<128xi32, #tpu.memory_space<vmem>>
    %dma_start3A_10 = arith.constant 0 : i32
    %dma_start3A_11 = arith.constant 0 : i32
    %dma_start3A_12 = tpu.memref_slice %arg3[%dma_start3A_10, %dma_start3A_11] : memref<100000x128xf32, #tpu.memory_space<hbm>> -> memref<100000x128xf32, #tpu.memory_space<hbm>>
    %dma_start3A_13 = tpu.memref_slice %arg7[%dma_start3A_4] : memref<5x!tpu.dma_semaphore, #tpu.memory_space<semaphore_mem>> -> memref<1x!tpu.dma_semaphore, #tpu.memory_space<semaphore_mem>>
    %dma_start3A_14 = tpu.memref_squeeze %dma_start3A_13 : memref<1x!tpu.dma_semaphore, #tpu.memory_space<semaphore_mem>> -> memref<!tpu.dma_semaphore, #tpu.memory_space<semaphore_mem>>
    tpu.enqueue_indirect_dma source(%dma_start3A_12 : memref<100000x128xf32, #tpu.memory_space<hbm>>) target(%dma_start3A_8 : memref<128x128xf32, #tpu.memory_space<vmem>>) offsets(%dma_start3A_9 : memref<128xi32, #tpu.memory_space<vmem>>) semaphore(%dma_start3A_14 : memref<!tpu.dma_semaphore, #tpu.memory_space<semaphore_mem>>)
    %scan3A = arith.constant 0 : i32
    %scan3A_15 = arith.constant 0 : i32
    %scan3A_16 = arith.constant 10 : i32
    %scan3A_17 = arith.addi %scan3A_15, %scan3A_16 : i32
    %scan3A_18 = arith.constant 1 : i32
    %scan3A_19 = scf.for %scan3A_115 = %scan3A_15 to %scan3A_17 step %scan3A_18 iter_args(%scan3A_116 = %scan3A) -> (i32)  : i32 {
      %mul3A_117 = arith.constant 5 : i32
      %mul3A_118 = arith.muli %scan3A_115, %mul3A_117 : i32
      %add3A_119 = arith.constant 0 : i32
      %add3A_120 = arith.addi %mul3A_118, %add3A_119 : i32
      %add3A_121 = arith.constant 1 : i32
      %add3A_122 = arith.addi %add3A_120, %add3A_121 : i32
      %ge3A = arith.constant 5 : i32
      %ge3A_123 = arith.cmpi sge, %add3A_122, %ge3A : i32
      %lt3A = arith.constant 50 : i32
      %lt3A_124 = arith.cmpi slt, %add3A_122, %lt3A : i32
      %and3A = arith.andi %ge3A_123, %lt3A_124 : i1
      %convert_element_type3A = arith.extui %and3A : i1 to i32
      %cond3A = arith.constant 0 : i32
      %cond3A_125 = arith.cmpi ne, %convert_element_type3A, %cond3A : i32
      scf.if %cond3A_125 {
        %sub3A = arith.constant 5 : i32
        %sub3A_375 = arith.subi %add3A_122, %sub3A : i32
        %mul3A_376 = arith.constant 128 : i32
        %mul3A_377 = arith.muli %sub3A_375, %mul3A_376 : i32
        %add3A_378 = arith.addi %mul3A_2, %mul3A_377 : i32
        %multiple_of3A_379 = tpu.assume_multiple %add3A_378, 128 : i32
        %dma_wait3A_380 = arith.constant 1 : i32
        %dma_wait3A_381 = arith.constant 1 : i32
        %dma_wait3A_382 = arith.constant 0 : i32
        %dma_wait3A_383 = arith.constant 0 : i32
        %dma_wait3A_384 = tpu.memref_slice %arg6[%dma_wait3A_380, %dma_wait3A_382, %dma_wait3A_383] : memref<5x128x128xf32, #tpu.memory_space<vmem>> -> memref<1x128x128xf32, #tpu.memory_space<vmem>>
        %dma_wait3A_385 = tpu.memref_squeeze %dma_wait3A_384 : memref<1x128x128xf32, #tpu.memory_space<vmem>> -> memref<128x128xf32, #tpu.memory_space<vmem>>
        %dma_wait3A_386 = arith.constant 0 : i32
        %dma_wait3A_387 = tpu.memref_slice %arg4[%multiple_of3A_379, %dma_wait3A_386] : memref<204800x128xf32, #tpu.memory_space<hbm>> -> memref<128x128xf32, #tpu.memory_space<hbm>>
        %dma_wait3A_388 = tpu.memref_slice %arg8[%dma_wait3A_381] : memref<5x!tpu.dma_semaphore, #tpu.memory_space<semaphore_mem>> -> memref<1x!tpu.dma_semaphore, #tpu.memory_space<semaphore_mem>>
        %dma_wait3A_389 = tpu.memref_squeeze %dma_wait3A_388 : memref<1x!tpu.dma_semaphore, #tpu.memory_space<semaphore_mem>> -> memref<!tpu.dma_semaphore, #tpu.memory_space<semaphore_mem>>
        %dma_wait3A_390 = arith.constant 0 : i32
        %dma_wait3A_391 = tpu.memref_slice %arg4[%multiple_of3A_379, %dma_wait3A_390] : memref<204800x128xf32, #tpu.memory_space<hbm>> -> memref<128x128xf32, #tpu.memory_space<hbm>>
        %dma_wait3A_392 = arith.constant 0 : i32
        %dma_wait3A_393 = arith.constant 0 : i32
        %dma_wait3A_394 = tpu.memref_slice %arg6[%dma_wait3A_380, %dma_wait3A_392, %dma_wait3A_393] : memref<5x128x128xf32, #tpu.memory_space<vmem>> -> memref<1x128x128xf32, #tpu.memory_space<vmem>>
        %dma_wait3A_395 = tpu.memref_squeeze %dma_wait3A_394 : memref<1x128x128xf32, #tpu.memory_space<vmem>> -> memref<128x128xf32, #tpu.memory_space<vmem>>
        tpu.wait_dma2 semaphore(%dma_wait3A_389 : memref<!tpu.dma_semaphore, #tpu.memory_space<semaphore_mem>>) src(%dma_wait3A_395 : memref<128x128xf32, #tpu.memory_space<vmem>>) dst(%dma_wait3A_391 : memref<128x128xf32, #tpu.memory_space<hbm>>)
      } else {
      }
      %lt3A_126 = arith.constant 50 : i32
      %lt3A_127 = arith.cmpi slt, %add3A_122, %lt3A_126 : i32
      %convert_element_type3A_128 = arith.extui %lt3A_127 : i1 to i32
      %cond3A_129 = arith.constant 0 : i32
      %cond3A_130 = arith.cmpi ne, %convert_element_type3A_128, %cond3A_129 : i32
      scf.if %cond3A_130 {
        %mul3A_375 = arith.constant 128 : i32
        %mul3A_376 = arith.muli %add3A_122, %mul3A_375 : i32
        %multiple_of3A_377 = tpu.assume_multiple %mul3A_376, 128 : i32
        %dma_start3A_378 = arith.constant 1 : i32
        %dma_start3A_379 = arith.constant 1 : i32
        %dma_start3A_380 = arith.constant 0 : i32
        %dma_start3A_381 = arith.constant 0 : i32
        %dma_start3A_382 = tpu.memref_slice %arg6[%dma_start3A_378, %dma_start3A_380, %dma_start3A_381] : memref<5x128x128xf32, #tpu.memory_space<vmem>> -> memref<1x128x128xf32, #tpu.memory_space<vmem>>
        %dma_start3A_383 = tpu.memref_squeeze %dma_start3A_382 : memref<1x128x128xf32, #tpu.memory_space<vmem>> -> memref<128x128xf32, #tpu.memory_space<vmem>>
        %dma_start3A_384 = tpu.memref_slice %arg5[%multiple_of3A_377] : memref<6400xi32, #tpu.memory_space<vmem>> -> memref<128xi32, #tpu.memory_space<vmem>>
        %dma_start3A_385 = arith.constant 0 : i32
        %dma_start3A_386 = arith.constant 0 : i32
        %dma_start3A_387 = tpu.memref_slice %arg3[%dma_start3A_385, %dma_start3A_386] : memref<100000x128xf32, #tpu.memory_space<hbm>> -> memref<100000x128xf32, #tpu.memory_space<hbm>>
        %dma_start3A_388 = tpu.memref_slice %arg7[%dma_start3A_379] : memref<5x!tpu.dma_semaphore, #tpu.memory_space<semaphore_mem>> -> memref<1x!tpu.dma_semaphore, #tpu.memory_space<semaphore_mem>>
        %dma_start3A_389 = tpu.memref_squeeze %dma_start3A_388 : memref<1x!tpu.dma_semaphore, #tpu.memory_space<semaphore_mem>> -> memref<!tpu.dma_semaphore, #tpu.memory_space<semaphore_mem>>
        tpu.enqueue_indirect_dma source(%dma_start3A_387 : memref<100000x128xf32, #tpu.memory_space<hbm>>) target(%dma_start3A_383 : memref<128x128xf32, #tpu.memory_space<vmem>>) offsets(%dma_start3A_384 : memref<128xi32, #tpu.memory_space<vmem>>) semaphore(%dma_start3A_389 : memref<!tpu.dma_semaphore, #tpu.memory_space<semaphore_mem>>)
      } else {
      }
      %mul3A_131 = arith.constant 128 : i32
      %mul3A_132 = arith.muli %add3A_120, %mul3A_131 : i32
      %multiple_of3A_133 = tpu.assume_multiple %mul3A_132, 128 : i32
      %dma_wait3A_134 = arith.constant 0 : i32
      %dma_wait3A_135 = arith.constant 0 : i32
      %dma_wait3A_136 = arith.constant 0 : i32
      %dma_wait3A_137 = arith.constant 0 : i32
      %dma_wait3A_138 = tpu.memref_slice %arg6[%dma_wait3A_134, %dma_wait3A_136, %dma_wait3A_137] : memref<5x128x128xf32, #tpu.memory_space<vmem>> -> memref<1x128x128xf32, #tpu.memory_space<vmem>>
      %dma_wait3A_139 = tpu.memref_squeeze %dma_wait3A_138 : memref<1x128x128xf32, #tpu.memory_space<vmem>> -> memref<128x128xf32, #tpu.memory_space<vmem>>
      %dma_wait3A_140 = tpu.memref_slice %arg5[%multiple_of3A_133] : memref<6400xi32, #tpu.memory_space<vmem>> -> memref<128xi32, #tpu.memory_space<vmem>>
      %dma_wait3A_141 = arith.constant 0 : i32
      %dma_wait3A_142 = arith.constant 0 : i32
      %dma_wait3A_143 = tpu.memref_slice %arg3[%dma_wait3A_141, %dma_wait3A_142] : memref<100000x128xf32, #tpu.memory_space<hbm>> -> memref<100000x128xf32, #tpu.memory_space<hbm>>
      %dma_wait3A_144 = tpu.memref_slice %arg7[%dma_wait3A_135] : memref<5x!tpu.dma_semaphore, #tpu.memory_space<semaphore_mem>> -> memref<1x!tpu.dma_semaphore, #tpu.memory_space<semaphore_mem>>
      %dma_wait3A_145 = tpu.memref_squeeze %dma_wait3A_144 : memref<1x!tpu.dma_semaphore, #tpu.memory_space<semaphore_mem>> -> memref<!tpu.dma_semaphore, #tpu.memory_space<semaphore_mem>>
      tpu.wait_indirect_dma semaphore(%dma_wait3A_145 : memref<!tpu.dma_semaphore, #tpu.memory_space<semaphore_mem>>) src(%dma_wait3A_143 : memref<100000x128xf32, #tpu.memory_space<hbm>>) dst(%dma_wait3A_139 : memref<128x128xf32, #tpu.memory_space<vmem>>)
      %mul3A_146 = arith.constant 128 : i32
      %mul3A_147 = arith.muli %add3A_120, %mul3A_146 : i32
      %add3A_148 = arith.addi %mul3A_2, %mul3A_147 : i32
      %multiple_of3A_149 = tpu.assume_multiple %add3A_148, 128 : i32
      %dma_start3A_150 = arith.constant 0 : i32
      %dma_start3A_151 = arith.constant 0 : i32
      %dma_start3A_152 = arith.constant 0 : i32
      %dma_start3A_153 = arith.constant 0 : i32
      %dma_start3A_154 = tpu.memref_slice %arg6[%dma_start3A_150, %dma_start3A_152, %dma_start3A_153] : memref<5x128x128xf32, #tpu.memory_space<vmem>> -> memref<1x128x128xf32, #tpu.memory_space<vmem>>
      %dma_start3A_155 = tpu.memref_squeeze %dma_start3A_154 : memref<1x128x128xf32, #tpu.memory_space<vmem>> -> memref<128x128xf32, #tpu.memory_space<vmem>>
      %dma_start3A_156 = arith.constant 0 : i32
      %dma_start3A_157 = tpu.memref_slice %arg4[%multiple_of3A_149, %dma_start3A_156] : memref<204800x128xf32, #tpu.memory_space<hbm>> -> memref<128x128xf32, #tpu.memory_space<hbm>>
      %dma_start3A_158 = tpu.memref_slice %arg8[%dma_start3A_151] : memref<5x!tpu.dma_semaphore, #tpu.memory_space<semaphore_mem>> -> memref<1x!tpu.dma_semaphore, #tpu.memory_space<semaphore_mem>>
      %dma_start3A_159 = tpu.memref_squeeze %dma_start3A_158 : memref<1x!tpu.dma_semaphore, #tpu.memory_space<semaphore_mem>> -> memref<!tpu.dma_semaphore, #tpu.memory_space<semaphore_mem>>
      %dma_start3A_160 = arith.constant 0 : i32
      %dma_start3A_161 = tpu.memref_slice %arg4[%multiple_of3A_149, %dma_start3A_160] : memref<204800x128xf32, #tpu.memory_space<hbm>> -> memref<128x128xf32, #tpu.memory_space<hbm>>
      %dma_start3A_162 = arith.constant 0 : i32
      %dma_start3A_163 = arith.constant 0 : i32
      %dma_start3A_164 = tpu.memref_slice %arg6[%dma_start3A_150, %dma_start3A_162, %dma_start3A_163] : memref<5x128x128xf32, #tpu.memory_space<vmem>> -> memref<1x128x128xf32, #tpu.memory_space<vmem>>
      %dma_start3A_165 = tpu.memref_squeeze %dma_start3A_164 : memref<1x128x128xf32, #tpu.memory_space<vmem>> -> memref<128x128xf32, #tpu.memory_space<vmem>>
      tpu.enqueue_dma source(%dma_start3A_165 : memref<128x128xf32, #tpu.memory_space<vmem>>) target(%dma_start3A_161 : memref<128x128xf32, #tpu.memory_space<hbm>>) target_semaphore(%dma_start3A_159 : memref<!tpu.dma_semaphore, #tpu.memory_space<semaphore_mem>>)
      %add3A_166 = arith.constant 1 : i32
      %add3A_167 = arith.addi %mul3A_118, %add3A_166 : i32
      %add3A_168 = arith.constant 1 : i32
      %add3A_169 = arith.addi %add3A_167, %add3A_168 : i32
      %ge3A_170 = arith.constant 5 : i32
      %ge3A_171 = arith.cmpi sge, %add3A_169, %ge3A_170 : i32
      %lt3A_172 = arith.constant 50 : i32
      %lt3A_173 = arith.cmpi slt, %add3A_169, %lt3A_172 : i32
      %and3A_174 = arith.andi %ge3A_171, %lt3A_173 : i1
      %convert_element_type3A_175 = arith.extui %and3A_174 : i1 to i32
      %cond3A_176 = arith.constant 0 : i32
      %cond3A_177 = arith.cmpi ne, %convert_element_type3A_175, %cond3A_176 : i32
      scf.if %cond3A_177 {
        %sub3A = arith.constant 5 : i32
        %sub3A_375 = arith.subi %add3A_169, %sub3A : i32
        %mul3A_376 = arith.constant 128 : i32
        %mul3A_377 = arith.muli %sub3A_375, %mul3A_376 : i32
        %add3A_378 = arith.addi %mul3A_2, %mul3A_377 : i32
        %multiple_of3A_379 = tpu.assume_multiple %add3A_378, 128 : i32
        %dma_wait3A_380 = arith.constant 2 : i32
        %dma_wait3A_381 = arith.constant 2 : i32
        %dma_wait3A_382 = arith.constant 0 : i32
        %dma_wait3A_383 = arith.constant 0 : i32
        %dma_wait3A_384 = tpu.memref_slice %arg6[%dma_wait3A_380, %dma_wait3A_382, %dma_wait3A_383] : memref<5x128x128xf32, #tpu.memory_space<vmem>> -> memref<1x128x128xf32, #tpu.memory_space<vmem>>
        %dma_wait3A_385 = tpu.memref_squeeze %dma_wait3A_384 : memref<1x128x128xf32, #tpu.memory_space<vmem>> -> memref<128x128xf32, #tpu.memory_space<vmem>>
        %dma_wait3A_386 = arith.constant 0 : i32
        %dma_wait3A_387 = tpu.memref_slice %arg4[%multiple_of3A_379, %dma_wait3A_386] : memref<204800x128xf32, #tpu.memory_space<hbm>> -> memref<128x128xf32, #tpu.memory_space<hbm>>
        %dma_wait3A_388 = tpu.memref_slice %arg8[%dma_wait3A_381] : memref<5x!tpu.dma_semaphore, #tpu.memory_space<semaphore_mem>> -> memref<1x!tpu.dma_semaphore, #tpu.memory_space<semaphore_mem>>
        %dma_wait3A_389 = tpu.memref_squeeze %dma_wait3A_388 : memref<1x!tpu.dma_semaphore, #tpu.memory_space<semaphore_mem>> -> memref<!tpu.dma_semaphore, #tpu.memory_space<semaphore_mem>>
        %dma_wait3A_390 = arith.constant 0 : i32
        %dma_wait3A_391 = tpu.memref_slice %arg4[%multiple_of3A_379, %dma_wait3A_390] : memref<204800x128xf32, #tpu.memory_space<hbm>> -> memref<128x128xf32, #tpu.memory_space<hbm>>
        %dma_wait3A_392 = arith.constant 0 : i32
        %dma_wait3A_393 = arith.constant 0 : i32
        %dma_wait3A_394 = tpu.memref_slice %arg6[%dma_wait3A_380, %dma_wait3A_392, %dma_wait3A_393] : memref<5x128x128xf32, #tpu.memory_space<vmem>> -> memref<1x128x128xf32, #tpu.memory_space<vmem>>
        %dma_wait3A_395 = tpu.memref_squeeze %dma_wait3A_394 : memref<1x128x128xf32, #tpu.memory_space<vmem>> -> memref<128x128xf32, #tpu.memory_space<vmem>>
        tpu.wait_dma2 semaphore(%dma_wait3A_389 : memref<!tpu.dma_semaphore, #tpu.memory_space<semaphore_mem>>) src(%dma_wait3A_395 : memref<128x128xf32, #tpu.memory_space<vmem>>) dst(%dma_wait3A_391 : memref<128x128xf32, #tpu.memory_space<hbm>>)
      } else {
      }
      %lt3A_178 = arith.constant 50 : i32
      %lt3A_179 = arith.cmpi slt, %add3A_169, %lt3A_178 : i32
      %convert_element_type3A_180 = arith.extui %lt3A_179 : i1 to i32
      %cond3A_181 = arith.constant 0 : i32
      %cond3A_182 = arith.cmpi ne, %convert_element_type3A_180, %cond3A_181 : i32
      scf.if %cond3A_182 {
        %mul3A_375 = arith.constant 128 : i32
        %mul3A_376 = arith.muli %add3A_169, %mul3A_375 : i32
        %multiple_of3A_377 = tpu.assume_multiple %mul3A_376, 128 : i32
        %dma_start3A_378 = arith.constant 2 : i32
        %dma_start3A_379 = arith.constant 2 : i32
        %dma_start3A_380 = arith.constant 0 : i32
        %dma_start3A_381 = arith.constant 0 : i32
        %dma_start3A_382 = tpu.memref_slice %arg6[%dma_start3A_378, %dma_start3A_380, %dma_start3A_381] : memref<5x128x128xf32, #tpu.memory_space<vmem>> -> memref<1x128x128xf32, #tpu.memory_space<vmem>>
        %dma_start3A_383 = tpu.memref_squeeze %dma_start3A_382 : memref<1x128x128xf32, #tpu.memory_space<vmem>> -> memref<128x128xf32, #tpu.memory_space<vmem>>
        %dma_start3A_384 = tpu.memref_slice %arg5[%multiple_of3A_377] : memref<6400xi32, #tpu.memory_space<vmem>> -> memref<128xi32, #tpu.memory_space<vmem>>
        %dma_start3A_385 = arith.constant 0 : i32
        %dma_start3A_386 = arith.constant 0 : i32
        %dma_start3A_387 = tpu.memref_slice %arg3[%dma_start3A_385, %dma_start3A_386] : memref<100000x128xf32, #tpu.memory_space<hbm>> -> memref<100000x128xf32, #tpu.memory_space<hbm>>
        %dma_start3A_388 = tpu.memref_slice %arg7[%dma_start3A_379] : memref<5x!tpu.dma_semaphore, #tpu.memory_space<semaphore_mem>> -> memref<1x!tpu.dma_semaphore, #tpu.memory_space<semaphore_mem>>
        %dma_start3A_389 = tpu.memref_squeeze %dma_start3A_388 : memref<1x!tpu.dma_semaphore, #tpu.memory_space<semaphore_mem>> -> memref<!tpu.dma_semaphore, #tpu.memory_space<semaphore_mem>>
        tpu.enqueue_indirect_dma source(%dma_start3A_387 : memref<100000x128xf32, #tpu.memory_space<hbm>>) target(%dma_start3A_383 : memref<128x128xf32, #tpu.memory_space<vmem>>) offsets(%dma_start3A_384 : memref<128xi32, #tpu.memory_space<vmem>>) semaphore(%dma_start3A_389 : memref<!tpu.dma_semaphore, #tpu.memory_space<semaphore_mem>>)
      } else {
      }
      %mul3A_183 = arith.constant 128 : i32
      %mul3A_184 = arith.muli %add3A_167, %mul3A_183 : i32
      %multiple_of3A_185 = tpu.assume_multiple %mul3A_184, 128 : i32
      %dma_wait3A_186 = arith.constant 1 : i32
      %dma_wait3A_187 = arith.constant 1 : i32
      %dma_wait3A_188 = arith.constant 0 : i32
      %dma_wait3A_189 = arith.constant 0 : i32
      %dma_wait3A_190 = tpu.memref_slice %arg6[%dma_wait3A_186, %dma_wait3A_188, %dma_wait3A_189] : memref<5x128x128xf32, #tpu.memory_space<vmem>> -> memref<1x128x128xf32, #tpu.memory_space<vmem>>
      %dma_wait3A_191 = tpu.memref_squeeze %dma_wait3A_190 : memref<1x128x128xf32, #tpu.memory_space<vmem>> -> memref<128x128xf32, #tpu.memory_space<vmem>>
      %dma_wait3A_192 = tpu.memref_slice %arg5[%multiple_of3A_185] : memref<6400xi32, #tpu.memory_space<vmem>> -> memref<128xi32, #tpu.memory_space<vmem>>
      %dma_wait3A_193 = arith.constant 0 : i32
      %dma_wait3A_194 = arith.constant 0 : i32
      %dma_wait3A_195 = tpu.memref_slice %arg3[%dma_wait3A_193, %dma_wait3A_194] : memref<100000x128xf32, #tpu.memory_space<hbm>> -> memref<100000x128xf32, #tpu.memory_space<hbm>>
      %dma_wait3A_196 = tpu.memref_slice %arg7[%dma_wait3A_187] : memref<5x!tpu.dma_semaphore, #tpu.memory_space<semaphore_mem>> -> memref<1x!tpu.dma_semaphore, #tpu.memory_space<semaphore_mem>>
      %dma_wait3A_197 = tpu.memref_squeeze %dma_wait3A_196 : memref<1x!tpu.dma_semaphore, #tpu.memory_space<semaphore_mem>> -> memref<!tpu.dma_semaphore, #tpu.memory_space<semaphore_mem>>
      tpu.wait_indirect_dma semaphore(%dma_wait3A_197 : memref<!tpu.dma_semaphore, #tpu.memory_space<semaphore_mem>>) src(%dma_wait3A_195 : memref<100000x128xf32, #tpu.memory_space<hbm>>) dst(%dma_wait3A_191 : memref<128x128xf32, #tpu.memory_space<vmem>>)
      %mul3A_198 = arith.constant 128 : i32
      %mul3A_199 = arith.muli %add3A_167, %mul3A_198 : i32
      %add3A_200 = arith.addi %mul3A_2, %mul3A_199 : i32
      %multiple_of3A_201 = tpu.assume_multiple %add3A_200, 128 : i32
      %dma_start3A_202 = arith.constant 1 : i32
      %dma_start3A_203 = arith.constant 1 : i32
      %dma_start3A_204 = arith.constant 0 : i32
      %dma_start3A_205 = arith.constant 0 : i32
      %dma_start3A_206 = tpu.memref_slice %arg6[%dma_start3A_202, %dma_start3A_204, %dma_start3A_205] : memref<5x128x128xf32, #tpu.memory_space<vmem>> -> memref<1x128x128xf32, #tpu.memory_space<vmem>>
      %dma_start3A_207 = tpu.memref_squeeze %dma_start3A_206 : memref<1x128x128xf32, #tpu.memory_space<vmem>> -> memref<128x128xf32, #tpu.memory_space<vmem>>
      %dma_start3A_208 = arith.constant 0 : i32
      %dma_start3A_209 = tpu.memref_slice %arg4[%multiple_of3A_201, %dma_start3A_208] : memref<204800x128xf32, #tpu.memory_space<hbm>> -> memref<128x128xf32, #tpu.memory_space<hbm>>
      %dma_start3A_210 = tpu.memref_slice %arg8[%dma_start3A_203] : memref<5x!tpu.dma_semaphore, #tpu.memory_space<semaphore_mem>> -> memref<1x!tpu.dma_semaphore, #tpu.memory_space<semaphore_mem>>
      %dma_start3A_211 = tpu.memref_squeeze %dma_start3A_210 : memref<1x!tpu.dma_semaphore, #tpu.memory_space<semaphore_mem>> -> memref<!tpu.dma_semaphore, #tpu.memory_space<semaphore_mem>>
      %dma_start3A_212 = arith.constant 0 : i32
      %dma_start3A_213 = tpu.memref_slice %arg4[%multiple_of3A_201, %dma_start3A_212] : memref<204800x128xf32, #tpu.memory_space<hbm>> -> memref<128x128xf32, #tpu.memory_space<hbm>>
      %dma_start3A_214 = arith.constant 0 : i32
      %dma_start3A_215 = arith.constant 0 : i32
      %dma_start3A_216 = tpu.memref_slice %arg6[%dma_start3A_202, %dma_start3A_214, %dma_start3A_215] : memref<5x128x128xf32, #tpu.memory_space<vmem>> -> memref<1x128x128xf32, #tpu.memory_space<vmem>>
      %dma_start3A_217 = tpu.memref_squeeze %dma_start3A_216 : memref<1x128x128xf32, #tpu.memory_space<vmem>> -> memref<128x128xf32, #tpu.memory_space<vmem>>
      tpu.enqueue_dma source(%dma_start3A_217 : memref<128x128xf32, #tpu.memory_space<vmem>>) target(%dma_start3A_213 : memref<128x128xf32, #tpu.memory_space<hbm>>) target_semaphore(%dma_start3A_211 : memref<!tpu.dma_semaphore, #tpu.memory_space<semaphore_mem>>)
      %add3A_218 = arith.constant 2 : i32
      %add3A_219 = arith.addi %mul3A_118, %add3A_218 : i32
      %add3A_220 = arith.constant 1 : i32
      %add3A_221 = arith.addi %add3A_219, %add3A_220 : i32
      %ge3A_222 = arith.constant 5 : i32
      %ge3A_223 = arith.cmpi sge, %add3A_221, %ge3A_222 : i32
      %lt3A_224 = arith.constant 50 : i32
      %lt3A_225 = arith.cmpi slt, %add3A_221, %lt3A_224 : i32
      %and3A_226 = arith.andi %ge3A_223, %lt3A_225 : i1
      %convert_element_type3A_227 = arith.extui %and3A_226 : i1 to i32
      %cond3A_228 = arith.constant 0 : i32
      %cond3A_229 = arith.cmpi ne, %convert_element_type3A_227, %cond3A_228 : i32
      scf.if %cond3A_229 {
        %sub3A = arith.constant 5 : i32
        %sub3A_375 = arith.subi %add3A_221, %sub3A : i32
        %mul3A_376 = arith.constant 128 : i32
        %mul3A_377 = arith.muli %sub3A_375, %mul3A_376 : i32
        %add3A_378 = arith.addi %mul3A_2, %mul3A_377 : i32
        %multiple_of3A_379 = tpu.assume_multiple %add3A_378, 128 : i32
        %dma_wait3A_380 = arith.constant 3 : i32
        %dma_wait3A_381 = arith.constant 3 : i32
        %dma_wait3A_382 = arith.constant 0 : i32
        %dma_wait3A_383 = arith.constant 0 : i32
        %dma_wait3A_384 = tpu.memref_slice %arg6[%dma_wait3A_380, %dma_wait3A_382, %dma_wait3A_383] : memref<5x128x128xf32, #tpu.memory_space<vmem>> -> memref<1x128x128xf32, #tpu.memory_space<vmem>>
        %dma_wait3A_385 = tpu.memref_squeeze %dma_wait3A_384 : memref<1x128x128xf32, #tpu.memory_space<vmem>> -> memref<128x128xf32, #tpu.memory_space<vmem>>
        %dma_wait3A_386 = arith.constant 0 : i32
        %dma_wait3A_387 = tpu.memref_slice %arg4[%multiple_of3A_379, %dma_wait3A_386] : memref<204800x128xf32, #tpu.memory_space<hbm>> -> memref<128x128xf32, #tpu.memory_space<hbm>>
        %dma_wait3A_388 = tpu.memref_slice %arg8[%dma_wait3A_381] : memref<5x!tpu.dma_semaphore, #tpu.memory_space<semaphore_mem>> -> memref<1x!tpu.dma_semaphore, #tpu.memory_space<semaphore_mem>>
        %dma_wait3A_389 = tpu.memref_squeeze %dma_wait3A_388 : memref<1x!tpu.dma_semaphore, #tpu.memory_space<semaphore_mem>> -> memref<!tpu.dma_semaphore, #tpu.memory_space<semaphore_mem>>
        %dma_wait3A_390 = arith.constant 0 : i32
        %dma_wait3A_391 = tpu.memref_slice %arg4[%multiple_of3A_379, %dma_wait3A_390] : memref<204800x128xf32, #tpu.memory_space<hbm>> -> memref<128x128xf32, #tpu.memory_space<hbm>>
        %dma_wait3A_392 = arith.constant 0 : i32
        %dma_wait3A_393 = arith.constant 0 : i32
        %dma_wait3A_394 = tpu.memref_slice %arg6[%dma_wait3A_380, %dma_wait3A_392, %dma_wait3A_393] : memref<5x128x128xf32, #tpu.memory_space<vmem>> -> memref<1x128x128xf32, #tpu.memory_space<vmem>>
        %dma_wait3A_395 = tpu.memref_squeeze %dma_wait3A_394 : memref<1x128x128xf32, #tpu.memory_space<vmem>> -> memref<128x128xf32, #tpu.memory_space<vmem>>
        tpu.wait_dma2 semaphore(%dma_wait3A_389 : memref<!tpu.dma_semaphore, #tpu.memory_space<semaphore_mem>>) src(%dma_wait3A_395 : memref<128x128xf32, #tpu.memory_space<vmem>>) dst(%dma_wait3A_391 : memref<128x128xf32, #tpu.memory_space<hbm>>)
      } else {
      }
      %lt3A_230 = arith.constant 50 : i32
      %lt3A_231 = arith.cmpi slt, %add3A_221, %lt3A_230 : i32
      %convert_element_type3A_232 = arith.extui %lt3A_231 : i1 to i32
      %cond3A_233 = arith.constant 0 : i32
      %cond3A_234 = arith.cmpi ne, %convert_element_type3A_232, %cond3A_233 : i32
      scf.if %cond3A_234 {
        %mul3A_375 = arith.constant 128 : i32
        %mul3A_376 = arith.muli %add3A_221, %mul3A_375 : i32
        %multiple_of3A_377 = tpu.assume_multiple %mul3A_376, 128 : i32
        %dma_start3A_378 = arith.constant 3 : i32
        %dma_start3A_379 = arith.constant 3 : i32
        %dma_start3A_380 = arith.constant 0 : i32
        %dma_start3A_381 = arith.constant 0 : i32
        %dma_start3A_382 = tpu.memref_slice %arg6[%dma_start3A_378, %dma_start3A_380, %dma_start3A_381] : memref<5x128x128xf32, #tpu.memory_space<vmem>> -> memref<1x128x128xf32, #tpu.memory_space<vmem>>
        %dma_start3A_383 = tpu.memref_squeeze %dma_start3A_382 : memref<1x128x128xf32, #tpu.memory_space<vmem>> -> memref<128x128xf32, #tpu.memory_space<vmem>>
        %dma_start3A_384 = tpu.memref_slice %arg5[%multiple_of3A_377] : memref<6400xi32, #tpu.memory_space<vmem>> -> memref<128xi32, #tpu.memory_space<vmem>>
        %dma_start3A_385 = arith.constant 0 : i32
        %dma_start3A_386 = arith.constant 0 : i32
        %dma_start3A_387 = tpu.memref_slice %arg3[%dma_start3A_385, %dma_start3A_386] : memref<100000x128xf32, #tpu.memory_space<hbm>> -> memref<100000x128xf32, #tpu.memory_space<hbm>>
        %dma_start3A_388 = tpu.memref_slice %arg7[%dma_start3A_379] : memref<5x!tpu.dma_semaphore, #tpu.memory_space<semaphore_mem>> -> memref<1x!tpu.dma_semaphore, #tpu.memory_space<semaphore_mem>>
        %dma_start3A_389 = tpu.memref_squeeze %dma_start3A_388 : memref<1x!tpu.dma_semaphore, #tpu.memory_space<semaphore_mem>> -> memref<!tpu.dma_semaphore, #tpu.memory_space<semaphore_mem>>
        tpu.enqueue_indirect_dma source(%dma_start3A_387 : memref<100000x128xf32, #tpu.memory_space<hbm>>) target(%dma_start3A_383 : memref<128x128xf32, #tpu.memory_space<vmem>>) offsets(%dma_start3A_384 : memref<128xi32, #tpu.memory_space<vmem>>) semaphore(%dma_start3A_389 : memref<!tpu.dma_semaphore, #tpu.memory_space<semaphore_mem>>)
      } else {
      }
      %mul3A_235 = arith.constant 128 : i32
      %mul3A_236 = arith.muli %add3A_219, %mul3A_235 : i32
      %multiple_of3A_237 = tpu.assume_multiple %mul3A_236, 128 : i32
      %dma_wait3A_238 = arith.constant 2 : i32
      %dma_wait3A_239 = arith.constant 2 : i32
      %dma_wait3A_240 = arith.constant 0 : i32
      %dma_wait3A_241 = arith.constant 0 : i32
      %dma_wait3A_242 = tpu.memref_slice %arg6[%dma_wait3A_238, %dma_wait3A_240, %dma_wait3A_241] : memref<5x128x128xf32, #tpu.memory_space<vmem>> -> memref<1x128x128xf32, #tpu.memory_space<vmem>>
      %dma_wait3A_243 = tpu.memref_squeeze %dma_wait3A_242 : memref<1x128x128xf32, #tpu.memory_space<vmem>> -> memref<128x128xf32, #tpu.memory_space<vmem>>
      %dma_wait3A_244 = tpu.memref_slice %arg5[%multiple_of3A_237] : memref<6400xi32, #tpu.memory_space<vmem>> -> memref<128xi32, #tpu.memory_space<vmem>>
      %dma_wait3A_245 = arith.constant 0 : i32
      %dma_wait3A_246 = arith.constant 0 : i32
      %dma_wait3A_247 = tpu.memref_slice %arg3[%dma_wait3A_245, %dma_wait3A_246] : memref<100000x128xf32, #tpu.memory_space<hbm>> -> memref<100000x128xf32, #tpu.memory_space<hbm>>
      %dma_wait3A_248 = tpu.memref_slice %arg7[%dma_wait3A_239] : memref<5x!tpu.dma_semaphore, #tpu.memory_space<semaphore_mem>> -> memref<1x!tpu.dma_semaphore, #tpu.memory_space<semaphore_mem>>
      %dma_wait3A_249 = tpu.memref_squeeze %dma_wait3A_248 : memref<1x!tpu.dma_semaphore, #tpu.memory_space<semaphore_mem>> -> memref<!tpu.dma_semaphore, #tpu.memory_space<semaphore_mem>>
      tpu.wait_indirect_dma semaphore(%dma_wait3A_249 : memref<!tpu.dma_semaphore, #tpu.memory_space<semaphore_mem>>) src(%dma_wait3A_247 : memref<100000x128xf32, #tpu.memory_space<hbm>>) dst(%dma_wait3A_243 : memref<128x128xf32, #tpu.memory_space<vmem>>)
      %mul3A_250 = arith.constant 128 : i32
      %mul3A_251 = arith.muli %add3A_219, %mul3A_250 : i32
      %add3A_252 = arith.addi %mul3A_2, %mul3A_251 : i32
      %multiple_of3A_253 = tpu.assume_multiple %add3A_252, 128 : i32
      %dma_start3A_254 = arith.constant 2 : i32
      %dma_start3A_255 = arith.constant 2 : i32
      %dma_start3A_256 = arith.constant 0 : i32
      %dma_start3A_257 = arith.constant 0 : i32
      %dma_start3A_258 = tpu.memref_slice %arg6[%dma_start3A_254, %dma_start3A_256, %dma_start3A_257] : memref<5x128x128xf32, #tpu.memory_space<vmem>> -> memref<1x128x128xf32, #tpu.memory_space<vmem>>
      %dma_start3A_259 = tpu.memref_squeeze %dma_start3A_258 : memref<1x128x128xf32, #tpu.memory_space<vmem>> -> memref<128x128xf32, #tpu.memory_space<vmem>>
      %dma_start3A_260 = arith.constant 0 : i32
      %dma_start3A_261 = tpu.memref_slice %arg4[%multiple_of3A_253, %dma_start3A_260] : memref<204800x128xf32, #tpu.memory_space<hbm>> -> memref<128x128xf32, #tpu.memory_space<hbm>>
      %dma_start3A_262 = tpu.memref_slice %arg8[%dma_start3A_255] : memref<5x!tpu.dma_semaphore, #tpu.memory_space<semaphore_mem>> -> memref<1x!tpu.dma_semaphore, #tpu.memory_space<semaphore_mem>>
      %dma_start3A_263 = tpu.memref_squeeze %dma_start3A_262 : memref<1x!tpu.dma_semaphore, #tpu.memory_space<semaphore_mem>> -> memref<!tpu.dma_semaphore, #tpu.memory_space<semaphore_mem>>
      %dma_start3A_264 = arith.constant 0 : i32
      %dma_start3A_265 = tpu.memref_slice %arg4[%multiple_of3A_253, %dma_start3A_264] : memref<204800x128xf32, #tpu.memory_space<hbm>> -> memref<128x128xf32, #tpu.memory_space<hbm>>
      %dma_start3A_266 = arith.constant 0 : i32
      %dma_start3A_267 = arith.constant 0 : i32
      %dma_start3A_268 = tpu.memref_slice %arg6[%dma_start3A_254, %dma_start3A_266, %dma_start3A_267] : memref<5x128x128xf32, #tpu.memory_space<vmem>> -> memref<1x128x128xf32, #tpu.memory_space<vmem>>
      %dma_start3A_269 = tpu.memref_squeeze %dma_start3A_268 : memref<1x128x128xf32, #tpu.memory_space<vmem>> -> memref<128x128xf32, #tpu.memory_space<vmem>>
      tpu.enqueue_dma source(%dma_start3A_269 : memref<128x128xf32, #tpu.memory_space<vmem>>) target(%dma_start3A_265 : memref<128x128xf32, #tpu.memory_space<hbm>>) target_semaphore(%dma_start3A_263 : memref<!tpu.dma_semaphore, #tpu.memory_space<semaphore_mem>>)
      %add3A_270 = arith.constant 3 : i32
      %add3A_271 = arith.addi %mul3A_118, %add3A_270 : i32
      %add3A_272 = arith.constant 1 : i32
      %add3A_273 = arith.addi %add3A_271, %add3A_272 : i32
      %ge3A_274 = arith.constant 5 : i32
      %ge3A_275 = arith.cmpi sge, %add3A_273, %ge3A_274 : i32
      %lt3A_276 = arith.constant 50 : i32
      %lt3A_277 = arith.cmpi slt, %add3A_273, %lt3A_276 : i32
      %and3A_278 = arith.andi %ge3A_275, %lt3A_277 : i1
      %convert_element_type3A_279 = arith.extui %and3A_278 : i1 to i32
      %cond3A_280 = arith.constant 0 : i32
      %cond3A_281 = arith.cmpi ne, %convert_element_type3A_279, %cond3A_280 : i32
      scf.if %cond3A_281 {
        %sub3A = arith.constant 5 : i32
        %sub3A_375 = arith.subi %add3A_273, %sub3A : i32
        %mul3A_376 = arith.constant 128 : i32
        %mul3A_377 = arith.muli %sub3A_375, %mul3A_376 : i32
        %add3A_378 = arith.addi %mul3A_2, %mul3A_377 : i32
        %multiple_of3A_379 = tpu.assume_multiple %add3A_378, 128 : i32
        %dma_wait3A_380 = arith.constant 4 : i32
        %dma_wait3A_381 = arith.constant 4 : i32
        %dma_wait3A_382 = arith.constant 0 : i32
        %dma_wait3A_383 = arith.constant 0 : i32
        %dma_wait3A_384 = tpu.memref_slice %arg6[%dma_wait3A_380, %dma_wait3A_382, %dma_wait3A_383] : memref<5x128x128xf32, #tpu.memory_space<vmem>> -> memref<1x128x128xf32, #tpu.memory_space<vmem>>
        %dma_wait3A_385 = tpu.memref_squeeze %dma_wait3A_384 : memref<1x128x128xf32, #tpu.memory_space<vmem>> -> memref<128x128xf32, #tpu.memory_space<vmem>>
        %dma_wait3A_386 = arith.constant 0 : i32
        %dma_wait3A_387 = tpu.memref_slice %arg4[%multiple_of3A_379, %dma_wait3A_386] : memref<204800x128xf32, #tpu.memory_space<hbm>> -> memref<128x128xf32, #tpu.memory_space<hbm>>
        %dma_wait3A_388 = tpu.memref_slice %arg8[%dma_wait3A_381] : memref<5x!tpu.dma_semaphore, #tpu.memory_space<semaphore_mem>> -> memref<1x!tpu.dma_semaphore, #tpu.memory_space<semaphore_mem>>
        %dma_wait3A_389 = tpu.memref_squeeze %dma_wait3A_388 : memref<1x!tpu.dma_semaphore, #tpu.memory_space<semaphore_mem>> -> memref<!tpu.dma_semaphore, #tpu.memory_space<semaphore_mem>>
        %dma_wait3A_390 = arith.constant 0 : i32
        %dma_wait3A_391 = tpu.memref_slice %arg4[%multiple_of3A_379, %dma_wait3A_390] : memref<204800x128xf32, #tpu.memory_space<hbm>> -> memref<128x128xf32, #tpu.memory_space<hbm>>
        %dma_wait3A_392 = arith.constant 0 : i32
        %dma_wait3A_393 = arith.constant 0 : i32
        %dma_wait3A_394 = tpu.memref_slice %arg6[%dma_wait3A_380, %dma_wait3A_392, %dma_wait3A_393] : memref<5x128x128xf32, #tpu.memory_space<vmem>> -> memref<1x128x128xf32, #tpu.memory_space<vmem>>
        %dma_wait3A_395 = tpu.memref_squeeze %dma_wait3A_394 : memref<1x128x128xf32, #tpu.memory_space<vmem>> -> memref<128x128xf32, #tpu.memory_space<vmem>>
        tpu.wait_dma2 semaphore(%dma_wait3A_389 : memref<!tpu.dma_semaphore, #tpu.memory_space<semaphore_mem>>) src(%dma_wait3A_395 : memref<128x128xf32, #tpu.memory_space<vmem>>) dst(%dma_wait3A_391 : memref<128x128xf32, #tpu.memory_space<hbm>>)
      } else {
      }
      %lt3A_282 = arith.constant 50 : i32
      %lt3A_283 = arith.cmpi slt, %add3A_273, %lt3A_282 : i32
      %convert_element_type3A_284 = arith.extui %lt3A_283 : i1 to i32
      %cond3A_285 = arith.constant 0 : i32
      %cond3A_286 = arith.cmpi ne, %convert_element_type3A_284, %cond3A_285 : i32
      scf.if %cond3A_286 {
        %mul3A_375 = arith.constant 128 : i32
        %mul3A_376 = arith.muli %add3A_273, %mul3A_375 : i32
        %multiple_of3A_377 = tpu.assume_multiple %mul3A_376, 128 : i32
        %dma_start3A_378 = arith.constant 4 : i32
        %dma_start3A_379 = arith.constant 4 : i32
        %dma_start3A_380 = arith.constant 0 : i32
        %dma_start3A_381 = arith.constant 0 : i32
        %dma_start3A_382 = tpu.memref_slice %arg6[%dma_start3A_378, %dma_start3A_380, %dma_start3A_381] : memref<5x128x128xf32, #tpu.memory_space<vmem>> -> memref<1x128x128xf32, #tpu.memory_space<vmem>>
        %dma_start3A_383 = tpu.memref_squeeze %dma_start3A_382 : memref<1x128x128xf32, #tpu.memory_space<vmem>> -> memref<128x128xf32, #tpu.memory_space<vmem>>
        %dma_start3A_384 = tpu.memref_slice %arg5[%multiple_of3A_377] : memref<6400xi32, #tpu.memory_space<vmem>> -> memref<128xi32, #tpu.memory_space<vmem>>
        %dma_start3A_385 = arith.constant 0 : i32
        %dma_start3A_386 = arith.constant 0 : i32
        %dma_start3A_387 = tpu.memref_slice %arg3[%dma_start3A_385, %dma_start3A_386] : memref<100000x128xf32, #tpu.memory_space<hbm>> -> memref<100000x128xf32, #tpu.memory_space<hbm>>
        %dma_start3A_388 = tpu.memref_slice %arg7[%dma_start3A_379] : memref<5x!tpu.dma_semaphore, #tpu.memory_space<semaphore_mem>> -> memref<1x!tpu.dma_semaphore, #tpu.memory_space<semaphore_mem>>
        %dma_start3A_389 = tpu.memref_squeeze %dma_start3A_388 : memref<1x!tpu.dma_semaphore, #tpu.memory_space<semaphore_mem>> -> memref<!tpu.dma_semaphore, #tpu.memory_space<semaphore_mem>>
        tpu.enqueue_indirect_dma source(%dma_start3A_387 : memref<100000x128xf32, #tpu.memory_space<hbm>>) target(%dma_start3A_383 : memref<128x128xf32, #tpu.memory_space<vmem>>) offsets(%dma_start3A_384 : memref<128xi32, #tpu.memory_space<vmem>>) semaphore(%dma_start3A_389 : memref<!tpu.dma_semaphore, #tpu.memory_space<semaphore_mem>>)
      } else {
      }
      %mul3A_287 = arith.constant 128 : i32
      %mul3A_288 = arith.muli %add3A_271, %mul3A_287 : i32
      %multiple_of3A_289 = tpu.assume_multiple %mul3A_288, 128 : i32
      %dma_wait3A_290 = arith.constant 3 : i32
      %dma_wait3A_291 = arith.constant 3 : i32
      %dma_wait3A_292 = arith.constant 0 : i32
      %dma_wait3A_293 = arith.constant 0 : i32
      %dma_wait3A_294 = tpu.memref_slice %arg6[%dma_wait3A_290, %dma_wait3A_292, %dma_wait3A_293] : memref<5x128x128xf32, #tpu.memory_space<vmem>> -> memref<1x128x128xf32, #tpu.memory_space<vmem>>
      %dma_wait3A_295 = tpu.memref_squeeze %dma_wait3A_294 : memref<1x128x128xf32, #tpu.memory_space<vmem>> -> memref<128x128xf32, #tpu.memory_space<vmem>>
      %dma_wait3A_296 = tpu.memref_slice %arg5[%multiple_of3A_289] : memref<6400xi32, #tpu.memory_space<vmem>> -> memref<128xi32, #tpu.memory_space<vmem>>
      %dma_wait3A_297 = arith.constant 0 : i32
      %dma_wait3A_298 = arith.constant 0 : i32
      %dma_wait3A_299 = tpu.memref_slice %arg3[%dma_wait3A_297, %dma_wait3A_298] : memref<100000x128xf32, #tpu.memory_space<hbm>> -> memref<100000x128xf32, #tpu.memory_space<hbm>>
      %dma_wait3A_300 = tpu.memref_slice %arg7[%dma_wait3A_291] : memref<5x!tpu.dma_semaphore, #tpu.memory_space<semaphore_mem>> -> memref<1x!tpu.dma_semaphore, #tpu.memory_space<semaphore_mem>>
      %dma_wait3A_301 = tpu.memref_squeeze %dma_wait3A_300 : memref<1x!tpu.dma_semaphore, #tpu.memory_space<semaphore_mem>> -> memref<!tpu.dma_semaphore, #tpu.memory_space<semaphore_mem>>
      tpu.wait_indirect_dma semaphore(%dma_wait3A_301 : memref<!tpu.dma_semaphore, #tpu.memory_space<semaphore_mem>>) src(%dma_wait3A_299 : memref<100000x128xf32, #tpu.memory_space<hbm>>) dst(%dma_wait3A_295 : memref<128x128xf32, #tpu.memory_space<vmem>>)
      %mul3A_302 = arith.constant 128 : i32
      %mul3A_303 = arith.muli %add3A_271, %mul3A_302 : i32
      %add3A_304 = arith.addi %mul3A_2, %mul3A_303 : i32
      %multiple_of3A_305 = tpu.assume_multiple %add3A_304, 128 : i32
      %dma_start3A_306 = arith.constant 3 : i32
      %dma_start3A_307 = arith.constant 3 : i32
      %dma_start3A_308 = arith.constant 0 : i32
      %dma_start3A_309 = arith.constant 0 : i32
      %dma_start3A_310 = tpu.memref_slice %arg6[%dma_start3A_306, %dma_start3A_308, %dma_start3A_309] : memref<5x128x128xf32, #tpu.memory_space<vmem>> -> memref<1x128x128xf32, #tpu.memory_space<vmem>>
      %dma_start3A_311 = tpu.memref_squeeze %dma_start3A_310 : memref<1x128x128xf32, #tpu.memory_space<vmem>> -> memref<128x128xf32, #tpu.memory_space<vmem>>
      %dma_start3A_312 = arith.constant 0 : i32
      %dma_start3A_313 = tpu.memref_slice %arg4[%multiple_of3A_305, %dma_start3A_312] : memref<204800x128xf32, #tpu.memory_space<hbm>> -> memref<128x128xf32, #tpu.memory_space<hbm>>
      %dma_start3A_314 = tpu.memref_slice %arg8[%dma_start3A_307] : memref<5x!tpu.dma_semaphore, #tpu.memory_space<semaphore_mem>> -> memref<1x!tpu.dma_semaphore, #tpu.memory_space<semaphore_mem>>
      %dma_start3A_315 = tpu.memref_squeeze %dma_start3A_314 : memref<1x!tpu.dma_semaphore, #tpu.memory_space<semaphore_mem>> -> memref<!tpu.dma_semaphore, #tpu.memory_space<semaphore_mem>>
      %dma_start3A_316 = arith.constant 0 : i32
      %dma_start3A_317 = tpu.memref_slice %arg4[%multiple_of3A_305, %dma_start3A_316] : memref<204800x128xf32, #tpu.memory_space<hbm>> -> memref<128x128xf32, #tpu.memory_space<hbm>>
      %dma_start3A_318 = arith.constant 0 : i32
      %dma_start3A_319 = arith.constant 0 : i32
      %dma_start3A_320 = tpu.memref_slice %arg6[%dma_start3A_306, %dma_start3A_318, %dma_start3A_319] : memref<5x128x128xf32, #tpu.memory_space<vmem>> -> memref<1x128x128xf32, #tpu.memory_space<vmem>>
      %dma_start3A_321 = tpu.memref_squeeze %dma_start3A_320 : memref<1x128x128xf32, #tpu.memory_space<vmem>> -> memref<128x128xf32, #tpu.memory_space<vmem>>
      tpu.enqueue_dma source(%dma_start3A_321 : memref<128x128xf32, #tpu.memory_space<vmem>>) target(%dma_start3A_317 : memref<128x128xf32, #tpu.memory_space<hbm>>) target_semaphore(%dma_start3A_315 : memref<!tpu.dma_semaphore, #tpu.memory_space<semaphore_mem>>)
      %add3A_322 = arith.constant 4 : i32
      %add3A_323 = arith.addi %mul3A_118, %add3A_322 : i32
      %add3A_324 = arith.constant 1 : i32
      %add3A_325 = arith.addi %add3A_323, %add3A_324 : i32
      %ge3A_326 = arith.constant 5 : i32
      %ge3A_327 = arith.cmpi sge, %add3A_325, %ge3A_326 : i32
      %lt3A_328 = arith.constant 50 : i32
      %lt3A_329 = arith.cmpi slt, %add3A_325, %lt3A_328 : i32
      %and3A_330 = arith.andi %ge3A_327, %lt3A_329 : i1
      %convert_element_type3A_331 = arith.extui %and3A_330 : i1 to i32
      %cond3A_332 = arith.constant 0 : i32
      %cond3A_333 = arith.cmpi ne, %convert_element_type3A_331, %cond3A_332 : i32
      scf.if %cond3A_333 {
        %sub3A = arith.constant 5 : i32
        %sub3A_375 = arith.subi %add3A_325, %sub3A : i32
        %mul3A_376 = arith.constant 128 : i32
        %mul3A_377 = arith.muli %sub3A_375, %mul3A_376 : i32
        %add3A_378 = arith.addi %mul3A_2, %mul3A_377 : i32
        %multiple_of3A_379 = tpu.assume_multiple %add3A_378, 128 : i32
        %dma_wait3A_380 = arith.constant 0 : i32
        %dma_wait3A_381 = arith.constant 0 : i32
        %dma_wait3A_382 = arith.constant 0 : i32
        %dma_wait3A_383 = arith.constant 0 : i32
        %dma_wait3A_384 = tpu.memref_slice %arg6[%dma_wait3A_380, %dma_wait3A_382, %dma_wait3A_383] : memref<5x128x128xf32, #tpu.memory_space<vmem>> -> memref<1x128x128xf32, #tpu.memory_space<vmem>>
        %dma_wait3A_385 = tpu.memref_squeeze %dma_wait3A_384 : memref<1x128x128xf32, #tpu.memory_space<vmem>> -> memref<128x128xf32, #tpu.memory_space<vmem>>
        %dma_wait3A_386 = arith.constant 0 : i32
        %dma_wait3A_387 = tpu.memref_slice %arg4[%multiple_of3A_379, %dma_wait3A_386] : memref<204800x128xf32, #tpu.memory_space<hbm>> -> memref<128x128xf32, #tpu.memory_space<hbm>>
        %dma_wait3A_388 = tpu.memref_slice %arg8[%dma_wait3A_381] : memref<5x!tpu.dma_semaphore, #tpu.memory_space<semaphore_mem>> -> memref<1x!tpu.dma_semaphore, #tpu.memory_space<semaphore_mem>>
        %dma_wait3A_389 = tpu.memref_squeeze %dma_wait3A_388 : memref<1x!tpu.dma_semaphore, #tpu.memory_space<semaphore_mem>> -> memref<!tpu.dma_semaphore, #tpu.memory_space<semaphore_mem>>
        %dma_wait3A_390 = arith.constant 0 : i32
        %dma_wait3A_391 = tpu.memref_slice %arg4[%multiple_of3A_379, %dma_wait3A_390] : memref<204800x128xf32, #tpu.memory_space<hbm>> -> memref<128x128xf32, #tpu.memory_space<hbm>>
        %dma_wait3A_392 = arith.constant 0 : i32
        %dma_wait3A_393 = arith.constant 0 : i32
        %dma_wait3A_394 = tpu.memref_slice %arg6[%dma_wait3A_380, %dma_wait3A_392, %dma_wait3A_393] : memref<5x128x128xf32, #tpu.memory_space<vmem>> -> memref<1x128x128xf32, #tpu.memory_space<vmem>>
        %dma_wait3A_395 = tpu.memref_squeeze %dma_wait3A_394 : memref<1x128x128xf32, #tpu.memory_space<vmem>> -> memref<128x128xf32, #tpu.memory_space<vmem>>
        tpu.wait_dma2 semaphore(%dma_wait3A_389 : memref<!tpu.dma_semaphore, #tpu.memory_space<semaphore_mem>>) src(%dma_wait3A_395 : memref<128x128xf32, #tpu.memory_space<vmem>>) dst(%dma_wait3A_391 : memref<128x128xf32, #tpu.memory_space<hbm>>)
      } else {
      }
      %lt3A_334 = arith.constant 50 : i32
      %lt3A_335 = arith.cmpi slt, %add3A_325, %lt3A_334 : i32
      %convert_element_type3A_336 = arith.extui %lt3A_335 : i1 to i32
      %cond3A_337 = arith.constant 0 : i32
      %cond3A_338 = arith.cmpi ne, %convert_element_type3A_336, %cond3A_337 : i32
      scf.if %cond3A_338 {
        %mul3A_375 = arith.constant 128 : i32
        %mul3A_376 = arith.muli %add3A_325, %mul3A_375 : i32
        %multiple_of3A_377 = tpu.assume_multiple %mul3A_376, 128 : i32
        %dma_start3A_378 = arith.constant 0 : i32
        %dma_start3A_379 = arith.constant 0 : i32
        %dma_start3A_380 = arith.constant 0 : i32
        %dma_start3A_381 = arith.constant 0 : i32
        %dma_start3A_382 = tpu.memref_slice %arg6[%dma_start3A_378, %dma_start3A_380, %dma_start3A_381] : memref<5x128x128xf32, #tpu.memory_space<vmem>> -> memref<1x128x128xf32, #tpu.memory_space<vmem>>
        %dma_start3A_383 = tpu.memref_squeeze %dma_start3A_382 : memref<1x128x128xf32, #tpu.memory_space<vmem>> -> memref<128x128xf32, #tpu.memory_space<vmem>>
        %dma_start3A_384 = tpu.memref_slice %arg5[%multiple_of3A_377] : memref<6400xi32, #tpu.memory_space<vmem>> -> memref<128xi32, #tpu.memory_space<vmem>>
        %dma_start3A_385 = arith.constant 0 : i32
        %dma_start3A_386 = arith.constant 0 : i32
        %dma_start3A_387 = tpu.memref_slice %arg3[%dma_start3A_385, %dma_start3A_386] : memref<100000x128xf32, #tpu.memory_space<hbm>> -> memref<100000x128xf32, #tpu.memory_space<hbm>>
        %dma_start3A_388 = tpu.memref_slice %arg7[%dma_start3A_379] : memref<5x!tpu.dma_semaphore, #tpu.memory_space<semaphore_mem>> -> memref<1x!tpu.dma_semaphore, #tpu.memory_space<semaphore_mem>>
        %dma_start3A_389 = tpu.memref_squeeze %dma_start3A_388 : memref<1x!tpu.dma_semaphore, #tpu.memory_space<semaphore_mem>> -> memref<!tpu.dma_semaphore, #tpu.memory_space<semaphore_mem>>
        tpu.enqueue_indirect_dma source(%dma_start3A_387 : memref<100000x128xf32, #tpu.memory_space<hbm>>) target(%dma_start3A_383 : memref<128x128xf32, #tpu.memory_space<vmem>>) offsets(%dma_start3A_384 : memref<128xi32, #tpu.memory_space<vmem>>) semaphore(%dma_start3A_389 : memref<!tpu.dma_semaphore, #tpu.memory_space<semaphore_mem>>)
      } else {
      }
      %mul3A_339 = arith.constant 128 : i32
      %mul3A_340 = arith.muli %add3A_323, %mul3A_339 : i32
      %multiple_of3A_341 = tpu.assume_multiple %mul3A_340, 128 : i32
      %dma_wait3A_342 = arith.constant 4 : i32
      %dma_wait3A_343 = arith.constant 4 : i32
      %dma_wait3A_344 = arith.constant 0 : i32
      %dma_wait3A_345 = arith.constant 0 : i32
      %dma_wait3A_346 = tpu.memref_slice %arg6[%dma_wait3A_342, %dma_wait3A_344, %dma_wait3A_345] : memref<5x128x128xf32, #tpu.memory_space<vmem>> -> memref<1x128x128xf32, #tpu.memory_space<vmem>>
      %dma_wait3A_347 = tpu.memref_squeeze %dma_wait3A_346 : memref<1x128x128xf32, #tpu.memory_space<vmem>> -> memref<128x128xf32, #tpu.memory_space<vmem>>
      %dma_wait3A_348 = tpu.memref_slice %arg5[%multiple_of3A_341] : memref<6400xi32, #tpu.memory_space<vmem>> -> memref<128xi32, #tpu.memory_space<vmem>>
      %dma_wait3A_349 = arith.constant 0 : i32
      %dma_wait3A_350 = arith.constant 0 : i32
      %dma_wait3A_351 = tpu.memref_slice %arg3[%dma_wait3A_349, %dma_wait3A_350] : memref<100000x128xf32, #tpu.memory_space<hbm>> -> memref<100000x128xf32, #tpu.memory_space<hbm>>
      %dma_wait3A_352 = tpu.memref_slice %arg7[%dma_wait3A_343] : memref<5x!tpu.dma_semaphore, #tpu.memory_space<semaphore_mem>> -> memref<1x!tpu.dma_semaphore, #tpu.memory_space<semaphore_mem>>
      %dma_wait3A_353 = tpu.memref_squeeze %dma_wait3A_352 : memref<1x!tpu.dma_semaphore, #tpu.memory_space<semaphore_mem>> -> memref<!tpu.dma_semaphore, #tpu.memory_space<semaphore_mem>>
      tpu.wait_indirect_dma semaphore(%dma_wait3A_353 : memref<!tpu.dma_semaphore, #tpu.memory_space<semaphore_mem>>) src(%dma_wait3A_351 : memref<100000x128xf32, #tpu.memory_space<hbm>>) dst(%dma_wait3A_347 : memref<128x128xf32, #tpu.memory_space<vmem>>)
      %mul3A_354 = arith.constant 128 : i32
      %mul3A_355 = arith.muli %add3A_323, %mul3A_354 : i32
      %add3A_356 = arith.addi %mul3A_2, %mul3A_355 : i32
      %multiple_of3A_357 = tpu.assume_multiple %add3A_356, 128 : i32
      %dma_start3A_358 = arith.constant 4 : i32
      %dma_start3A_359 = arith.constant 4 : i32
      %dma_start3A_360 = arith.constant 0 : i32
      %dma_start3A_361 = arith.constant 0 : i32
      %dma_start3A_362 = tpu.memref_slice %arg6[%dma_start3A_358, %dma_start3A_360, %dma_start3A_361] : memref<5x128x128xf32, #tpu.memory_space<vmem>> -> memref<1x128x128xf32, #tpu.memory_space<vmem>>
      %dma_start3A_363 = tpu.memref_squeeze %dma_start3A_362 : memref<1x128x128xf32, #tpu.memory_space<vmem>> -> memref<128x128xf32, #tpu.memory_space<vmem>>
      %dma_start3A_364 = arith.constant 0 : i32
      %dma_start3A_365 = tpu.memref_slice %arg4[%multiple_of3A_357, %dma_start3A_364] : memref<204800x128xf32, #tpu.memory_space<hbm>> -> memref<128x128xf32, #tpu.memory_space<hbm>>
      %dma_start3A_366 = tpu.memref_slice %arg8[%dma_start3A_359] : memref<5x!tpu.dma_semaphore, #tpu.memory_space<semaphore_mem>> -> memref<1x!tpu.dma_semaphore, #tpu.memory_space<semaphore_mem>>
      %dma_start3A_367 = tpu.memref_squeeze %dma_start3A_366 : memref<1x!tpu.dma_semaphore, #tpu.memory_space<semaphore_mem>> -> memref<!tpu.dma_semaphore, #tpu.memory_space<semaphore_mem>>
      %dma_start3A_368 = arith.constant 0 : i32
      %dma_start3A_369 = tpu.memref_slice %arg4[%multiple_of3A_357, %dma_start3A_368] : memref<204800x128xf32, #tpu.memory_space<hbm>> -> memref<128x128xf32, #tpu.memory_space<hbm>>
      %dma_start3A_370 = arith.constant 0 : i32
      %dma_start3A_371 = arith.constant 0 : i32
      %dma_start3A_372 = tpu.memref_slice %arg6[%dma_start3A_358, %dma_start3A_370, %dma_start3A_371] : memref<5x128x128xf32, #tpu.memory_space<vmem>> -> memref<1x128x128xf32, #tpu.memory_space<vmem>>
      %dma_start3A_373 = tpu.memref_squeeze %dma_start3A_372 : memref<1x128x128xf32, #tpu.memory_space<vmem>> -> memref<128x128xf32, #tpu.memory_space<vmem>>
      tpu.enqueue_dma source(%dma_start3A_373 : memref<128x128xf32, #tpu.memory_space<vmem>>) target(%dma_start3A_369 : memref<128x128xf32, #tpu.memory_space<hbm>>) target_semaphore(%dma_start3A_367 : memref<!tpu.dma_semaphore, #tpu.memory_space<semaphore_mem>>)
      %scan3A_374 = arith.constant 0 : i32
      scf.yield %scan3A_374 : i32
    }
    %scan3A_20 = arith.constant 10 : i32
    %add3A_21 = arith.constant 5760 : i32
    %add3A_22 = arith.addi %mul3A_2, %add3A_21 : i32
    %multiple_of3A_23 = tpu.assume_multiple %add3A_22, 128 : i32
    %dma_wait3A = arith.constant 0 : i32
    %dma_wait3A_24 = arith.constant 0 : i32
    %dma_wait3A_25 = arith.constant 0 : i32
    %dma_wait3A_26 = arith.constant 0 : i32
    %dma_wait3A_27 = tpu.memref_slice %arg6[%dma_wait3A, %dma_wait3A_25, %dma_wait3A_26] : memref<5x128x128xf32, #tpu.memory_space<vmem>> -> memref<1x128x128xf32, #tpu.memory_space<vmem>>
    %dma_wait3A_28 = tpu.memref_squeeze %dma_wait3A_27 : memref<1x128x128xf32, #tpu.memory_space<vmem>> -> memref<128x128xf32, #tpu.memory_space<vmem>>
    %dma_wait3A_29 = arith.constant 0 : i32
    %dma_wait3A_30 = tpu.memref_slice %arg4[%multiple_of3A_23, %dma_wait3A_29] : memref<204800x128xf32, #tpu.memory_space<hbm>> -> memref<128x128xf32, #tpu.memory_space<hbm>>
    %dma_wait3A_31 = tpu.memref_slice %arg8[%dma_wait3A_24] : memref<5x!tpu.dma_semaphore, #tpu.memory_space<semaphore_mem>> -> memref<1x!tpu.dma_semaphore, #tpu.memory_space<semaphore_mem>>
    %dma_wait3A_32 = tpu.memref_squeeze %dma_wait3A_31 : memref<1x!tpu.dma_semaphore, #tpu.memory_space<semaphore_mem>> -> memref<!tpu.dma_semaphore, #tpu.memory_space<semaphore_mem>>
    %dma_wait3A_33 = arith.constant 0 : i32
    %dma_wait3A_34 = tpu.memref_slice %arg4[%multiple_of3A_23, %dma_wait3A_33] : memref<204800x128xf32, #tpu.memory_space<hbm>> -> memref<128x128xf32, #tpu.memory_space<hbm>>
    %dma_wait3A_35 = arith.constant 0 : i32
    %dma_wait3A_36 = arith.constant 0 : i32
    %dma_wait3A_37 = tpu.memref_slice %arg6[%dma_wait3A, %dma_wait3A_35, %dma_wait3A_36] : memref<5x128x128xf32, #tpu.memory_space<vmem>> -> memref<1x128x128xf32, #tpu.memory_space<vmem>>
    %dma_wait3A_38 = tpu.memref_squeeze %dma_wait3A_37 : memref<1x128x128xf32, #tpu.memory_space<vmem>> -> memref<128x128xf32, #tpu.memory_space<vmem>>
    tpu.wait_dma2 semaphore(%dma_wait3A_32 : memref<!tpu.dma_semaphore, #tpu.memory_space<semaphore_mem>>) src(%dma_wait3A_38 : memref<128x128xf32, #tpu.memory_space<vmem>>) dst(%dma_wait3A_34 : memref<128x128xf32, #tpu.memory_space<hbm>>)
    %add3A_39 = arith.constant 5888 : i32
    %add3A_40 = arith.addi %mul3A_2, %add3A_39 : i32
    %multiple_of3A_41 = tpu.assume_multiple %add3A_40, 128 : i32
    %dma_wait3A_42 = arith.constant 1 : i32
    %dma_wait3A_43 = arith.constant 1 : i32
    %dma_wait3A_44 = arith.constant 0 : i32
    %dma_wait3A_45 = arith.constant 0 : i32
    %dma_wait3A_46 = tpu.memref_slice %arg6[%dma_wait3A_42, %dma_wait3A_44, %dma_wait3A_45] : memref<5x128x128xf32, #tpu.memory_space<vmem>> -> memref<1x128x128xf32, #tpu.memory_space<vmem>>
    %dma_wait3A_47 = tpu.memref_squeeze %dma_wait3A_46 : memref<1x128x128xf32, #tpu.memory_space<vmem>> -> memref<128x128xf32, #tpu.memory_space<vmem>>
    %dma_wait3A_48 = arith.constant 0 : i32
    %dma_wait3A_49 = tpu.memref_slice %arg4[%multiple_of3A_41, %dma_wait3A_48] : memref<204800x128xf32, #tpu.memory_space<hbm>> -> memref<128x128xf32, #tpu.memory_space<hbm>>
    %dma_wait3A_50 = tpu.memref_slice %arg8[%dma_wait3A_43] : memref<5x!tpu.dma_semaphore, #tpu.memory_space<semaphore_mem>> -> memref<1x!tpu.dma_semaphore, #tpu.memory_space<semaphore_mem>>
    %dma_wait3A_51 = tpu.memref_squeeze %dma_wait3A_50 : memref<1x!tpu.dma_semaphore, #tpu.memory_space<semaphore_mem>> -> memref<!tpu.dma_semaphore, #tpu.memory_space<semaphore_mem>>
    %dma_wait3A_52 = arith.constant 0 : i32
    %dma_wait3A_53 = tpu.memref_slice %arg4[%multiple_of3A_41, %dma_wait3A_52] : memref<204800x128xf32, #tpu.memory_space<hbm>> -> memref<128x128xf32, #tpu.memory_space<hbm>>
    %dma_wait3A_54 = arith.constant 0 : i32
    %dma_wait3A_55 = arith.constant 0 : i32
    %dma_wait3A_56 = tpu.memref_slice %arg6[%dma_wait3A_42, %dma_wait3A_54, %dma_wait3A_55] : memref<5x128x128xf32, #tpu.memory_space<vmem>> -> memref<1x128x128xf32, #tpu.memory_space<vmem>>
    %dma_wait3A_57 = tpu.memref_squeeze %dma_wait3A_56 : memref<1x128x128xf32, #tpu.memory_space<vmem>> -> memref<128x128xf32, #tpu.memory_space<vmem>>
    tpu.wait_dma2 semaphore(%dma_wait3A_51 : memref<!tpu.dma_semaphore, #tpu.memory_space<semaphore_mem>>) src(%dma_wait3A_57 : memref<128x128xf32, #tpu.memory_space<vmem>>) dst(%dma_wait3A_53 : memref<128x128xf32, #tpu.memory_space<hbm>>)
    %add3A_58 = arith.constant 6016 : i32
    %add3A_59 = arith.addi %mul3A_2, %add3A_58 : i32
    %multiple_of3A_60 = tpu.assume_multiple %add3A_59, 128 : i32
    %dma_wait3A_61 = arith.constant 2 : i32
    %dma_wait3A_62 = arith.constant 2 : i32
    %dma_wait3A_63 = arith.constant 0 : i32
    %dma_wait3A_64 = arith.constant 0 : i32
    %dma_wait3A_65 = tpu.memref_slice %arg6[%dma_wait3A_61, %dma_wait3A_63, %dma_wait3A_64] : memref<5x128x128xf32, #tpu.memory_space<vmem>> -> memref<1x128x128xf32, #tpu.memory_space<vmem>>
    %dma_wait3A_66 = tpu.memref_squeeze %dma_wait3A_65 : memref<1x128x128xf32, #tpu.memory_space<vmem>> -> memref<128x128xf32, #tpu.memory_space<vmem>>
    %dma_wait3A_67 = arith.constant 0 : i32
    %dma_wait3A_68 = tpu.memref_slice %arg4[%multiple_of3A_60, %dma_wait3A_67] : memref<204800x128xf32, #tpu.memory_space<hbm>> -> memref<128x128xf32, #tpu.memory_space<hbm>>
    %dma_wait3A_69 = tpu.memref_slice %arg8[%dma_wait3A_62] : memref<5x!tpu.dma_semaphore, #tpu.memory_space<semaphore_mem>> -> memref<1x!tpu.dma_semaphore, #tpu.memory_space<semaphore_mem>>
    %dma_wait3A_70 = tpu.memref_squeeze %dma_wait3A_69 : memref<1x!tpu.dma_semaphore, #tpu.memory_space<semaphore_mem>> -> memref<!tpu.dma_semaphore, #tpu.memory_space<semaphore_mem>>
    %dma_wait3A_71 = arith.constant 0 : i32
    %dma_wait3A_72 = tpu.memref_slice %arg4[%multiple_of3A_60, %dma_wait3A_71] : memref<204800x128xf32, #tpu.memory_space<hbm>> -> memref<128x128xf32, #tpu.memory_space<hbm>>
    %dma_wait3A_73 = arith.constant 0 : i32
    %dma_wait3A_74 = arith.constant 0 : i32
    %dma_wait3A_75 = tpu.memref_slice %arg6[%dma_wait3A_61, %dma_wait3A_73, %dma_wait3A_74] : memref<5x128x128xf32, #tpu.memory_space<vmem>> -> memref<1x128x128xf32, #tpu.memory_space<vmem>>
    %dma_wait3A_76 = tpu.memref_squeeze %dma_wait3A_75 : memref<1x128x128xf32, #tpu.memory_space<vmem>> -> memref<128x128xf32, #tpu.memory_space<vmem>>
    tpu.wait_dma2 semaphore(%dma_wait3A_70 : memref<!tpu.dma_semaphore, #tpu.memory_space<semaphore_mem>>) src(%dma_wait3A_76 : memref<128x128xf32, #tpu.memory_space<vmem>>) dst(%dma_wait3A_72 : memref<128x128xf32, #tpu.memory_space<hbm>>)
    %add3A_77 = arith.constant 6144 : i32
    %add3A_78 = arith.addi %mul3A_2, %add3A_77 : i32
    %multiple_of3A_79 = tpu.assume_multiple %add3A_78, 128 : i32
    %dma_wait3A_80 = arith.constant 3 : i32
    %dma_wait3A_81 = arith.constant 3 : i32
    %dma_wait3A_82 = arith.constant 0 : i32
    %dma_wait3A_83 = arith.constant 0 : i32
    %dma_wait3A_84 = tpu.memref_slice %arg6[%dma_wait3A_80, %dma_wait3A_82, %dma_wait3A_83] : memref<5x128x128xf32, #tpu.memory_space<vmem>> -> memref<1x128x128xf32, #tpu.memory_space<vmem>>
    %dma_wait3A_85 = tpu.memref_squeeze %dma_wait3A_84 : memref<1x128x128xf32, #tpu.memory_space<vmem>> -> memref<128x128xf32, #tpu.memory_space<vmem>>
    %dma_wait3A_86 = arith.constant 0 : i32
    %dma_wait3A_87 = tpu.memref_slice %arg4[%multiple_of3A_79, %dma_wait3A_86] : memref<204800x128xf32, #tpu.memory_space<hbm>> -> memref<128x128xf32, #tpu.memory_space<hbm>>
    %dma_wait3A_88 = tpu.memref_slice %arg8[%dma_wait3A_81] : memref<5x!tpu.dma_semaphore, #tpu.memory_space<semaphore_mem>> -> memref<1x!tpu.dma_semaphore, #tpu.memory_space<semaphore_mem>>
    %dma_wait3A_89 = tpu.memref_squeeze %dma_wait3A_88 : memref<1x!tpu.dma_semaphore, #tpu.memory_space<semaphore_mem>> -> memref<!tpu.dma_semaphore, #tpu.memory_space<semaphore_mem>>
    %dma_wait3A_90 = arith.constant 0 : i32
    %dma_wait3A_91 = tpu.memref_slice %arg4[%multiple_of3A_79, %dma_wait3A_90] : memref<204800x128xf32, #tpu.memory_space<hbm>> -> memref<128x128xf32, #tpu.memory_space<hbm>>
    %dma_wait3A_92 = arith.constant 0 : i32
    %dma_wait3A_93 = arith.constant 0 : i32
    %dma_wait3A_94 = tpu.memref_slice %arg6[%dma_wait3A_80, %dma_wait3A_92, %dma_wait3A_93] : memref<5x128x128xf32, #tpu.memory_space<vmem>> -> memref<1x128x128xf32, #tpu.memory_space<vmem>>
    %dma_wait3A_95 = tpu.memref_squeeze %dma_wait3A_94 : memref<1x128x128xf32, #tpu.memory_space<vmem>> -> memref<128x128xf32, #tpu.memory_space<vmem>>
    tpu.wait_dma2 semaphore(%dma_wait3A_89 : memref<!tpu.dma_semaphore, #tpu.memory_space<semaphore_mem>>) src(%dma_wait3A_95 : memref<128x128xf32, #tpu.memory_space<vmem>>) dst(%dma_wait3A_91 : memref<128x128xf32, #tpu.memory_space<hbm>>)
    %add3A_96 = arith.constant 6272 : i32
    %add3A_97 = arith.addi %mul3A_2, %add3A_96 : i32
    %multiple_of3A_98 = tpu.assume_multiple %add3A_97, 128 : i32
    %dma_wait3A_99 = arith.constant 4 : i32
    %dma_wait3A_100 = arith.constant 4 : i32
    %dma_wait3A_101 = arith.constant 0 : i32
    %dma_wait3A_102 = arith.constant 0 : i32
    %dma_wait3A_103 = tpu.memref_slice %arg6[%dma_wait3A_99, %dma_wait3A_101, %dma_wait3A_102] : memref<5x128x128xf32, #tpu.memory_space<vmem>> -> memref<1x128x128xf32, #tpu.memory_space<vmem>>
    %dma_wait3A_104 = tpu.memref_squeeze %dma_wait3A_103 : memref<1x128x128xf32, #tpu.memory_space<vmem>> -> memref<128x128xf32, #tpu.memory_space<vmem>>
    %dma_wait3A_105 = arith.constant 0 : i32
    %dma_wait3A_106 = tpu.memref_slice %arg4[%multiple_of3A_98, %dma_wait3A_105] : memref<204800x128xf32, #tpu.memory_space<hbm>> -> memref<128x128xf32, #tpu.memory_space<hbm>>
    %dma_wait3A_107 = tpu.memref_slice %arg8[%dma_wait3A_100] : memref<5x!tpu.dma_semaphore, #tpu.memory_space<semaphore_mem>> -> memref<1x!tpu.dma_semaphore, #tpu.memory_space<semaphore_mem>>
    %dma_wait3A_108 = tpu.memref_squeeze %dma_wait3A_107 : memref<1x!tpu.dma_semaphore, #tpu.memory_space<semaphore_mem>> -> memref<!tpu.dma_semaphore, #tpu.memory_space<semaphore_mem>>
    %dma_wait3A_109 = arith.constant 0 : i32
    %dma_wait3A_110 = tpu.memref_slice %arg4[%multiple_of3A_98, %dma_wait3A_109] : memref<204800x128xf32, #tpu.memory_space<hbm>> -> memref<128x128xf32, #tpu.memory_space<hbm>>
    %dma_wait3A_111 = arith.constant 0 : i32
    %dma_wait3A_112 = arith.constant 0 : i32
    %dma_wait3A_113 = tpu.memref_slice %arg6[%dma_wait3A_99, %dma_wait3A_111, %dma_wait3A_112] : memref<5x128x128xf32, #tpu.memory_space<vmem>> -> memref<1x128x128xf32, #tpu.memory_space<vmem>>
    %dma_wait3A_114 = tpu.memref_squeeze %dma_wait3A_113 : memref<1x128x128xf32, #tpu.memory_space<vmem>> -> memref<128x128xf32, #tpu.memory_space<vmem>>
    tpu.wait_dma2 semaphore(%dma_wait3A_108 : memref<!tpu.dma_semaphore, #tpu.memory_space<semaphore_mem>>) src(%dma_wait3A_114 : memref<128x128xf32, #tpu.memory_space<vmem>>) dst(%dma_wait3A_110 : memref<128x128xf32, #tpu.memory_space<hbm>>)
    return
  }
}

</mosaic_0001>

<sc_bundles>
// kernel: kernel.3.cloned.1.call-start
scs
__scs_entry_jumppad:
0x0: {  	(pc) =	sbr.rel $0x88, $3  }
0x1: {  	(tag) =	ssettag $0x0;
	lr =	simm.s32 $0x1  }
0x2: {  	[smem:$0x3F9F] =	sst lr;
	_ =	strace $0xD0000000  }
0x3: {  	_ = 	snop  }
0x4: {  	_ = 	snop  }
0x5: {  	_ = 	snop  }
0x6: {  	_ = 	snop  }
0x7: {  	_ = 	snop  }
__scs_overlays_trampoline_lowered:
0x8: {  	[smem:$0x3FAE] =	sst s0  }
0x9: {  	[smem:$0x3FAF] =	sst s1  }
0xa: {  	[smem:$0x3FB0] =	sst s2  }
0xb: {  	[smem:$0x3FB1] =	sst s3  }
0xc: {  	[smem:$0x3FB2] =	sst s4  }
0xd: {  	[smem:$0x3FB3] =	sst s5  }
0xe: {  	[smem:$0x3FB4] =	sst s6  }
0xf: {  	[smem:$0x3FB5] =	sst s7  }
0x10: {  	[smem:$0x3FB6] =	sst s8  }
0x11: {  	[smem:$0x3FB7] =	sst s9;
	s0 =	simm.s32 @!p0 $0x0  }
0x12: {  	s1 =	sld [smem:$0x3F9D];
	s0 =	simm.s32 @p0 $0x1  }
0x13: {  	[smem:$0x3FB8] =	sst s0;
	s0 =	simm.s32 @!p1 $0x0  }
0x14: {  	s2 =	sld [smem:$0x3F9C];
	s0 =	simm.s32 @p1 $0x1  }
0x15: {  	[smem:$0x3FB9] =	sst s0;
	s0 =	simm.s32 @!p2 $0x0  }
0x16: {  	s3 =	sld [smem:$0x3FDB];
	s0 =	simm.s32 @p2 $0x1  }
0x17: {  	s4 =	simm.s32 $0x1BF5;
	[smem:$0x3FBB] =	sst s0  }
0x18: {  	s0 =	sld [smem:$0x3F9E];
	_ =	swait.ge [sflag:s4], $0x0  }
0x19: {  	s7 =	sld [smem:$0x3F9F]  }
0x1a: {  	s8 =	sadd.s32 $0xFFFFE003, lr  }
0x1b: {  	s9 =	sadd.s32 $0xFFFFFEF7, lr;
	s5 =	simm.s32 $0xFFFFFFFF;
	p2 =	slt.u32 s8, $0xFFFFF086  }
0x1c: {  	p1 =	slt.u32 s9, $0xF7A;
	s5 =	simm.s32 @!p2 $0x0  }
0x1d: {  	s5 =	simm.s32 @p1 $0x1;
	p0 =	seq.s32 s7, s2  }
0x1e: {  	s7 =	smul.u32 @!p0 $0xF7A, s2;
	p2 =	seq.s32 @!p0 s5, $0x0  }
0x1f: {  	s9 =	smul.u32 $0xF7A, s1;
	s8 =	simm.s32 @!p0 $0x1BF5;
	p2 =	por !p2, p0  }
0x20: {  	[sflag:s8] =	ssyncset.s32 @!p0 $0xFFFFF086;
	s6 =	sadd.s32 @!p0 s3, s7;
	s7 =	simm.s32 @!p0 $0x108  }
0x21: {  	s3 =	sadd.s32 s3, s9;
	s6 =	sadd.s32 @!p0 $0x88, s6;
	s7 =	simm.s32 @p2 $0x1082  }
0x22: {  	[simem:s7], [sflag:s8] =	dma.local @!p0 [hbm:s6], $0xF7A  }
0x23: {  	s9 =	sor.u32 $0xD0000000, s2;
	s6 =	simm.s32 $0x108;
	_ =	swait.ge @!p0 [sflag:s8], $0x0  }
0x24: {  	s3 =	sadd.s32 $0x88, s3;
	s6 =	simm.s32 @!p1 $0x1082;
	[sflag:s4] =	ssyncset.s32 $0xFFFFF086  }
0x25: {  	[simem:s6], [sflag:s4] =	dma.local [hbm:s3], $0xF7A  }
0x26: {  	[smem:$0x3F9F] =	sst s1;
	(tag) =	ssettag s2;
	_ =	strace s9  }
0x27: {  	s1 =	sld [smem:$0x3FAF]  }
0x28: {  	s2 =	sld [smem:$0x3FB0]  }
0x29: {  	s4 =	sld [smem:$0x3FB2]  }
0x2a: {  	p0 =	seq.s32 s5, $0x0;
	s5 =	sld [smem:$0x3FB3]  }
0x2b: {  	s6 =	sld [smem:$0x3FB4]  }
0x2c: {  	s7 =	sld [smem:$0x3FB5]  }
0x2d: {  	s3 =	simm.s32 $0x108;
	s8 =	sld [smem:$0x3FB6]  }
0x2e: {  	s3 =	simm.s32 @!p0 $0x1082;
	s9 =	sld [smem:$0x3FB7]  }
0x2f: {  	lr =	sadd.s32 s0, s3;
	s0 =	sld [smem:$0x3FAE]  }
0x30: {  	s3 =	sld [smem:$0x3FB1]  }
0x31: {  	[smem:$0x3FBA] =	sst s10  }
0x32: {  	s10 =	sld [smem:$0x3FB8];
	_ =	sdelay $0x3  }
0x33: {  	p0 =	seq.s32 s10, $0x1;
	s10 =	sld [smem:$0x3FBA];
	_ =	sdelay $0x3  }
0x34: {  	[smem:$0x3FBA] =	sst s10  }
0x35: {  	s10 =	sld [smem:$0x3FB9];
	_ =	sdelay $0x3  }
0x36: {  	p1 =	seq.s32 s10, $0x1;
	s10 =	sld [smem:$0x3FBA];
	_ =	sdelay $0x3  }
0x37: {  	[smem:$0x3FBA] =	sst s10  }
0x38: {  	s10 =	sld [smem:$0x3FBB]  }
0x39: {  	_ = 	snop;
	(pc) =	sbr.ind lr, $3  }
0x3a: {  	_ = 	snop  }
0x3b: {  	_ = 	snop  }
0x3c: {  	p2 =	seq.s32 s10, $0x1;
	s10 =	sld [smem:$0x3FBA]  }
0x3d: {  	_ =	shalt  }
0x3e: {  	_ =	shalt  }
0x3f: {  	_ =	shalt  }
0x40: {  	_ =	shalt  }
0x41: {  	_ =	shalt  }
0x42: {  	_ =	shalt  }
0x43: {  	_ =	shalt  }
0x44: {  	_ =	shalt  }
0x45: {  	_ =	shalt  }
0x46: {  	_ =	shalt  }
0x47: {  	_ =	shalt  }
0x48: {  	_ =	shalt  }
0x49: {  	_ =	shalt  }
0x4a: {  	_ =	shalt  }
0x4b: {  	_ =	shalt  }
0x4c: {  	_ =	shalt  }
0x4d: {  	_ =	shalt  }
0x4e: {  	_ =	shalt  }
0x4f: {  	_ =	shalt  }
0x50: {  	_ =	shalt  }
0x51: {  	_ =	shalt  }
0x52: {  	_ =	shalt  }
0x53: {  	_ =	shalt  }
0x54: {  	_ =	shalt  }
0x55: {  	_ =	shalt  }
0x56: {  	_ =	shalt  }
0x57: {  	_ =	shalt  }
0x58: {  	_ =	shalt  }
0x59: {  	_ =	shalt  }
0x5a: {  	_ =	shalt  }
0x5b: {  	_ =	shalt  }
0x5c: {  	_ =	shalt  }
0x5d: {  	_ =	shalt  }
0x5e: {  	_ =	shalt  }
0x5f: {  	_ =	shalt  }
0x60: {  	_ =	shalt  }
0x61: {  	_ =	shalt  }
0x62: {  	_ =	shalt  }
0x63: {  	_ =	shalt  }
0x64: {  	_ =	shalt  }
0x65: {  	_ =	shalt  }
0x66: {  	_ =	shalt  }
0x67: {  	_ =	shalt  }
0x68: {  	_ =	shalt  }
0x69: {  	_ =	shalt  }
0x6a: {  	_ =	shalt  }
0x6b: {  	_ =	shalt  }
0x6c: {  	_ =	shalt  }
0x6d: {  	_ =	shalt  }
0x6e: {  	_ =	shalt  }
0x6f: {  	_ =	shalt  }
0x70: {  	_ =	shalt  }
0x71: {  	_ =	shalt  }
0x72: {  	_ =	shalt  }
0x73: {  	_ =	shalt  }
0x74: {  	_ =	shalt  }
0x75: {  	_ =	shalt  }
0x76: {  	_ =	shalt  }
0x77: {  	_ =	shalt  }
0x78: {  	_ =	shalt  }
0x79: {  	_ =	shalt  }
0x7a: {  	_ =	shalt  }
0x7b: {  	_ =	shalt  }
0x7c: {  	_ =	shalt  }
0x7d: {  	_ =	shalt  }
0x7e: {  	_ =	shalt  }
0x7f: {  	_ =	shalt  }
0x80: {  	_ =	shalt  }
0x81: {  	_ =	shalt  }
0x82: {  	_ =	shalt  }
0x83: {  	_ =	shalt  }
0x84: {  	_ =	shalt  }
0x85: {  	_ =	shalt  }
0x86: {  	_ =	shalt  }
0x87: {  	_ =	shalt  }
.Lfunc_end0:
.L_simem_size_0:
called_computation.1_lowered:
.L_overlay_start_0:
0x88: {  	s2 =	sld [smem:$0x3FD9]  }
0x89: {  	s3 =	sld [smem:$0x3FFE];
	_ =	sdelay $0x1  }
0x8a: {  	s1 =	srdreg.scid  }
0x8b: {  	s0 =	sand.u32 $0x1, s1  }
0x8c: {  	s17 =	sshll.u32 s0, $0xA;
	s2 =	sadd.s32 s3, s2  }
0x8d: {  	s2 =	sadd.s32 s2, s17  }
0x8e: {  	[smem:$0x3FC6] =	sst s2  }
0x8f: {  	_ = 	snop  }
0x90: {  	s2 =	sld [smem:$0x3FC8]  }
0x91: {  	s18 =	sld [smem:$0x3FD0];
	(tm) =	ssettm $0x1  }
0x92: {  	s4 =	sld [smem:$0x3FFB];
	_ =	sdelay $0x3  }
0x93: {  	_ =	strace s4  }
0x94: {  	s4 =	sld [smem:$0x3FFC];
	_ =	sdelay $0x3  }
0x95: {  	_ =	strace s4  }
0x96: {  	s4 =	sld [smem:$0x3FFD];
	_ =	sdelay $0x3  }
0x97: {  	_ =	strace s4  }
0x98: {  	_ =	strace $0x8FFFFFFF  }
0x99: {  	s19 =	sld [smem:$0x3FDB];
	_ =	sdelay $0x1  }
0x9a: {  	s5 =	simm.s32 $_scs_section_size  }
0x9b: {  	s6 =	simm.s32 $_size__tile_overlayer_lowered;
	s7 =	simm.s32 $_tile_overlayer_lowered  }
0x9c: {  	s22 =	simm.s32 $0x1BFF;
	s21 =	sshll.u32 s7, $0x1;
	s4 =	sadd.s32 s5, s19  }
0x9d: {  	s8 =	simm.s32 $0x0;
	s20 =	sshll.u32 s6, $0x1;
	s6 =	sadd.s32 s21, s4  }
0x9e: {  	[timem:s8], [sflag:s22] =	dma.local [hbm:s6], s20  }
0x9f: {  	_ =	swait.ge [sflag:s22], s20  }
0xa0: {  	s5 =	ssub.s32 $0x0, s20;
	[sflag:s22] =	ssyncset.done $0x0  }
0xa1: {  	[sflag:s22] =	ssyncadd.s32 s5;
	_ =	sdelay $0x1  }
0xa2: {  	s23 =	simm.s32 $0x1B8B  }
0xa3: {  	_ =	swait.ge [sflag:s23], $0x1  }
0xa4: {  	[sflag:s23] =	ssyncset.done $0x0  }
0xa5: {  	s25 =	simm.s32 $0x1B8E;
	s24 =	sld [smem:$0x3FFE];
	[sflag:s23] =	ssyncadd.s32 $0xFFFFFFFF  }
0xa6: {  	s26 =	simm.s32 $execute0_lowered;
	[smem:$0x3FD2] =	sst s25  }
0xa7: {  	s6 =	sshll.u32 s26, $0x1;
	_ =	strace $0x80000046;
	[dreg:$0x1] =	wrdreg $0xFFFFFFFF  }
0xa8: {  	s28 =	simm.s32 $_size_execute0_lowered;
	s4 =	sadd.s32 s4, s6;
	[dreg:$0x0] =	wrdreg $0x0  }
0xa9: {  	s6 =	sshll.u32 s28, $0x1;
	[dreg:$0x2] =	wrdreg s4  }
0xaa: {  	[dreg:$0x3] =	wrdreg s6  }
0xab: {  	[dreg:$0x4] =	wrdreg $0xC0  }
0xac: {  	_ =	task [dreg:s8], $0x5FFFF  }
0xad: {  	[dreg:$0x1] =	wrdreg $0xFFFFFFFF  }
0xae: {  	[dreg:$0x0] =	wrdreg $0x60  }
0xaf: {  	[dreg:$0x2] =	wrdreg s24  }
0xb0: {  	[dreg:$0x3] =	wrdreg s2  }
0xb1: {  	[dreg:$0x4] =	wrdreg s18  }
0xb2: {  	[dreg:$0x5] =	wrdreg $0x9  }
0xb3: {  	_ =	task.clear_ibuf [dreg:s8], $0x6FFFF;
	_ =	strace $0x90000046  }
0xb4: {  	s29 =	simm.s32 $0x9;
	_ =	strace $0x80000048  }
0xb5: {  	_ =	swait.ge [sflag:s29], $0x1  }
0xb6: {  	[sflag:s29] =	ssyncadd.s32 $0xFFFFFFFF  }
0xb7: {  	_ =	strace $0x90000048  }
0xb8: {  	_ =	sfence  }
0xb9: {  	s30 =	sld [smem:$0x0];
	_ =	sdelay $0x2  }
0xba: {  	s31 =	sshll.u32 s1, $0xD;
	s1 =	sshrl.u32 s1, $0x2  }
0xbb: {  	s3 =	sand.u32 $0x4000, s31;
	s1 =	sadd.s32 s1, s30  }
0xbc: {  	s0 =	sor.u32 s3, s0;
	s1 =	sshll.u32 s1, $0x11  }
0xbd: {  	s0 =	sor.u32 s1, s0  }
0xbe: {  	s0 =	sadd.s32 $0x8F2B, s0  }
0xbf: {  	[sflag:s0] =	ssyncadd.remote.s32 $0x1  }
0xc0: {  	_ =	sfence.sel $0xFFFF  }
0xc1: {  	[dreg:$0x0] =	wrdreg $0xFFFFFFFF;
	(pc) =	sbr.abs _section_cstart, $3  }
0xc2: {  	[dreg:$0x1] =	wrdreg $0xFFFFFFFF  }
0xc3: {  	_ =	task.clear_ibuf [dreg:s8], $0x2FFFF;
	_ =	strace $0x9FFFFFFF  }
0xc4: {  	(tm) =	ssettm $0x7FFFFFFF  }
0xc5: {  	_ =	shalt  }
tec
execute0_lowered:
.L_overlay_start_1:
0x0: {  	(tag) =	ssettag $0x1  }
0x1: {  	s0 =	srdreg.scid;
	s5 =	rddreg [dreg:$0x0]  }
0x2: {  	s7 =	stileid.u32;
	s2 =	rddreg [dreg:$0x1]  }
0x3: {  	s3 =	rddreg [dreg:$0x2];
	s4 =	simm.s32 $0x0;
	s10 =	simm.s32 $0x5900  }
0x4: {  	s11 =	simm.s32 $0x1;
	s12 =	simm.s32 $0x9900;
	s13 =	simm.s32 $0x2  }
0x5: {  	s14 =	simm.s32 $0xD900;
	s15 =	simm.s32 $0x3;
	s16 =	simm.s32 $0x11900  }
0x6: {  	s17 =	simm.s32 $0x4;
	s18 =	simm.s32 $0x5;
	s19 =	simm.s32 $0x6  }
0x7: {  	s20 =	simm.s32 $0x7;
	s21 =	simm.s32 $0x8;
	s6 =	smul.u32 $0x32000, s7  }
0x8: {  	s0 =	sand.u32 $0x1, s0;
	s1 =	sshll.u32 s7, $0x1;
	s7 =	smul.u32 $0x190000, s7  }
0x9: {  	s22 =	simm.s32 $0x9;
	[smem:$0x7FF] =	sst s4;
	s8 =	smul.u32 $0xC8000, s0  }
0xa: {  	s1 =	sor.u32 s0, s1;
	s9 =	smul.u32 $0x19000, s0;
	s0 =	ssub.s32 $0x2, s0  }
0xb: {  	_ =	strace $0x80000047;
	s1 =	smul.u32 $0x1900, s1;
	s24 =	sshrl.u32 s0, $0x1  }
0xc: {  	s23 =	sadd.s32 s8, s7;
	s6 =	sadd.s32 s9, s6;
	s0 =	ssub.s32 s0, s24  }
0xd: {  	s7 =	simm.s32 $0xB;
	s9 =	simm.s32 $0x1900;
	s1 =	sshrl.u32 s1, $0x3  }
0xe: {  	s8 =	sadd.s32 $0x10000, s23;
	[dreg:$0x4] =	wrdreg s6;
	s0 =	smax.u32 s0, $0x1  }
0xf: {  	s26 =	sadd.s32 $0xC000, s23;
	s25 =	sshrl.u32 s8, $0x3;
	[dreg:$0xa] =	wrdreg s0  }
0x10: {  	s29 =	sadd.s32 $0x8000, s23;
	s28 =	sshrl.u32 s26, $0x3;
	[dreg:$0x5] =	wrdreg s25  }
0x11: {  	s1 =	sadd.s32 s1, s5;
	s30 =	sshrl.u32 s29, $0x3;
	[dreg:$0x6] =	wrdreg s28  }
0x12: {  	s5 =	sor.u32 $0x4000, s23;
	[dreg:$0x7] =	wrdreg s30;
	s1 =	sadd.s32 $0x800, s1  }
0x13: {  	s24 =	simm.s32 $0x0;
	s31 =	sshrl.u32 s5, $0x3;
	[dreg:$0x9] =	wrdreg s1  }
0x14: {  	s8 =	simm.s32 $0x80;
	s23 =	simm.s32 $0xA;
	[dreg:$0x8] =	wrdreg s31  }
.LBB2_1:
0x15: {  	s0 =	rddreg [dreg:$0x9]  }
0x16: {  	[tilespmem:s4], [sflag:$0xB] =	stream.linear.gather [hbm4b:s0+s4], $0x1900, $0x38;
	[tilespmem:$0x15900] =	vst v63  }
0x17: {  	p0 =	por $0x1, $0x1;
	_ =	swait.ge [sflag:s7], $0x1900  }
0x18: {  	p0 =	por p0, p0;
	[sflag:s7] =	ssyncset.done $0x0  }
0x19: {  	s0 =	simm.s32 @!p0 $0x7;
	[sflag:s7] =	ssyncadd.s32 $0xFFFFE700  }
0x1a: {  	[tilespmem:s9], [sflag:$0x1] =	stream.indirect.gather [hbm4b:s2+s8], $0x80, s4, s8, $0xb8;
	[tilespmem:$0x15900] =	vst v63  }
0x1b: {  	_ =	swait.ge @!p0 [sflag:s0], $0x4000  }
0x1c: {  	[sflag:s0] =	ssyncset.done @!p0 $0x0  }
0x1d: {  	s25 =	simm.s32 $0x80;
	[sflag:s0] =	ssyncadd.s32 @!p0 $0xFFFFC000  }
0x1e: {  	[tilespmem:s10], [sflag:$0x2] =	stream.indirect.gather [hbm4b:s2+s8], $0x80, s25, s8, $0xb8;
	[tilespmem:$0x15900] =	vst v63  }
0x1f: {  	_ =	swait.ge [sflag:s11], $0x4000  }
0x20: {  	s26 =	rddreg [dreg:$0x4];
	[sflag:s11] =	ssyncset.done $0x0  }
0x21: {  	p0 =	por $0x1, $0x1;
	[sflag:s11] =	ssyncadd.s32 $0xFFFFC000;
	s0 =	sadd.s32 s3, s26  }
0x22: {  	[hbm4b:s0+s4] =	stream.linear.scatter [tilespmem:s9], [sflag:$0x6], $0x4000, $0x38;
	[tilespmem:$0x15900] =	vst v63  }
0x23: {  	s0 =	simm.s32 @!p0 $0x8  }
0x24: {  	_ =	swait.ge @!p0 [sflag:s0], $0x4000  }
0x25: {  	[sflag:s0] =	ssyncset.done @!p0 $0x0  }
0x26: {  	s1 =	simm.s32 $0x100;
	[sflag:s0] =	ssyncadd.s32 @!p0 $0xFFFFC000  }
0x27: {  	[tilespmem:s12], [sflag:$0x3] =	stream.indirect.gather [hbm4b:s2+s8], $0x80, s1, s8, $0xb8;
	[tilespmem:$0x15900] =	vst v63  }
0x28: {  	_ =	swait.ge [sflag:s13], $0x4000  }
0x29: {  	p0 =	por $0x1, $0x1;
	s1 =	rddreg [dreg:$0x8];
	[sflag:s13] =	ssyncset.done $0x0  }
0x2a: {  	[sflag:s13] =	ssyncadd.s32 $0xFFFFC000;
	s0 =	sadd.s32 s3, s1;
	s1 =	simm.s32 @!p0 $0x9  }
0x2b: {  	[hbm4b:s0+s4] =	stream.linear.scatter [tilespmem:s10], [sflag:$0x7], $0x4000, $0x38;
	[tilespmem:$0x15900] =	vst v63  }
0x2c: {  	_ =	swait.ge @!p0 [sflag:s1], $0x4000  }
0x2d: {  	[sflag:s1] =	ssyncset.done @!p0 $0x0  }
0x2e: {  	s5 =	simm.s32 $0x180;
	[sflag:s1] =	ssyncadd.s32 @!p0 $0xFFFFC000  }
0x2f: {  	[tilespmem:s14], [sflag:$0x4] =	stream.indirect.gather [hbm4b:s2+s8], $0x80, s5, s8, $0xb8;
	[tilespmem:$0x15900] =	vst v63  }
0x30: {  	_ =	swait.ge [sflag:s15], $0x4000  }
0x31: {  	p0 =	por $0x1, $0x1;
	s6 =	rddreg [dreg:$0x7];
	[sflag:s15] =	ssyncset.done $0x0  }
0x32: {  	s1 =	simm.s32 @!p0 $0xA;
	[sflag:s15] =	ssyncadd.s32 $0xFFFFC000;
	s0 =	sadd.s32 s3, s6  }
0x33: {  	[hbm4b:s0+s4] =	stream.linear.scatter [tilespmem:s12], [sflag:$0x8], $0x4000, $0x38;
	[tilespmem:$0x15900] =	vst v63  }
0x34: {  	_ =	swait.ge @!p0 [sflag:s1], $0x4000  }
0x35: {  	[sflag:s1] =	ssyncset.done @!p0 $0x0  }
0x36: {  	s25 =	simm.s32 $0x200;
	[sflag:s1] =	ssyncadd.s32 @!p0 $0xFFFFC000  }
0x37: {  	[tilespmem:s16], [sflag:$0x5] =	stream.indirect.gather [hbm4b:s2+s8], $0x80, s25, s8, $0xb8;
	[tilespmem:$0x15900] =	vst v63  }
0x38: {  	_ =	swait.ge [sflag:s17], $0x4000  }
0x39: {  	p0 =	por $0x0, $0x0;
	s26 =	rddreg [dreg:$0x6];
	[sflag:s17] =	ssyncset.done $0x0  }
0x3a: {  	s1 =	simm.s32 @!p0 $0x6;
	[sflag:s17] =	ssyncadd.s32 $0xFFFFC000;
	s0 =	sadd.s32 s3, s26  }
0x3b: {  	[hbm4b:s0+s4] =	stream.linear.scatter [tilespmem:s14], [sflag:$0x9], $0x4000, $0x38;
	[tilespmem:$0x15900] =	vst v63  }
0x3c: {  	s28 =	simm.s32 $0x1;
	p6 =	por $0x0, $0x0;
	_ =	swait.ge @!p0 [sflag:s1], $0x4000  }
0x3d: {  	s30 =	simm.s32 $0x6;
	s25 =	simm.s32 @!p0 $0x80;
	[sflag:s1] =	ssyncset.done @!p0 $0x0  }
0x3e: {  	s29 =	simm.s32 @!p0 $0x1900;
	s0 =	simm.s32 @!p0 $0x280;
	[sflag:s1] =	ssyncadd.s32 @!p0 $0xFFFFC000  }
0x3f: {  	[tilespmem:s29], [sflag:$0x1] =	stream.indirect.gather @!p0 [hbm4b:s2+s25], $0x80, s0, s25, $0xb8;
	[tilespmem:$0x15900] =	vst v63  }
0x40: {  	s31 =	smov.u32 s3;
	s26 =	simm.s32 $0xA00;
	_ =	swait.ge [sflag:s18], $0x4000  }
0x41: {  	s29 =	simm.s32 $0x1400;
	p0 =	por p6, p6;
	[sflag:s18] =	ssyncset.done $0x0  }
0x42: {  	s25 =	sadd.s32 $0x2800, s3;
	s0 =	rddreg [dreg:$0x5];
	[sflag:s18] =	ssyncadd.s32 $0xFFFFC000  }
.LBB2_2:
0x43: {  	s5 =	simm.s32 @!p0 $0x7;
	s0 =	sadd.s32 s31, s0  }
0x44: {  	[hbm4b:s0+s4] =	stream.linear.scatter [tilespmem:s16], [sflag:$0xA], $0x4000, $0x38;
	[tilespmem:$0x15900] =	vst v63  }
0x45: {  	_ =	swait.ge @!p0 [sflag:s5], $0x4000  }
0x46: {  	s0 =	sshra.s32 s26, $0x2;
	[sflag:s5] =	ssyncset.done @!p0 $0x0  }
0x47: {  	p2 =	sgt.u32 s30, $0x2C;
	s6 =	sadd.s32 $0x80, s0;
	[sflag:s5] =	ssyncadd.s32 @!p0 $0xFFFFC000  }
0x48: {  	[tilespmem:s10], [sflag:$0x2] =	stream.indirect.gather [hbm4b:s2+s8], $0x80, s6, s8, $0xb8;
	[tilespmem:$0x15900] =	vst v63  }
0x49: {  	p0 =	por p2, p2;
	_ =	swait.ge [sflag:s11], $0x4000  }
0x4a: {  	s6 =	sadd.s32 $0x1, s28;
	s5 =	rddreg [dreg:$0x4];
	[sflag:s11] =	ssyncset.done $0x0  }
0x4b: {  	p2 =	sgt.u32 s6, $0x2C;
	[sflag:s11] =	ssyncadd.s32 $0xFFFFC000;
	s5 =	sadd.s32 s25, s5  }
0x4c: {  	[hbm4b:s5+s4] =	stream.linear.scatter [tilespmem:s9], [sflag:$0x6], $0x4000, $0x38;
	[tilespmem:$0x15900] =	vst v63  }
0x4d: {  	s5 =	simm.s32 @!p2 $0x8  }
0x4e: {  	_ =	swait.ge @!p2 [sflag:s5], $0x4000  }
0x4f: {  	[sflag:s5] =	ssyncset.done @!p2 $0x0  }
0x50: {  	s6 =	sadd.s32 $0x100, s0;
	[sflag:s5] =	ssyncadd.s32 @!p2 $0xFFFFC000  }
0x51: {  	[tilespmem:s12], [sflag:$0x3] =	stream.indirect.gather [hbm4b:s2+s8], $0x80, s6, s8, $0xb8;
	[tilespmem:$0x15900] =	vst v63  }
0x52: {  	s6 =	sadd.s32 $0x2, s28;
	_ =	swait.ge [sflag:s13], $0x4000  }
0x53: {  	p2 =	sgt.u32 s6, $0x2C;
	s5 =	rddreg [dreg:$0x8];
	[sflag:s13] =	ssyncset.done $0x0  }
0x54: {  	s6 =	simm.s32 @!p2 $0x9;
	[sflag:s13] =	ssyncadd.s32 $0xFFFFC000;
	s5 =	sadd.s32 s25, s5  }
0x55: {  	[hbm4b:s5+s4] =	stream.linear.scatter [tilespmem:s10], [sflag:$0x7], $0x4000, $0x38;
	[tilespmem:$0x15900] =	vst v63  }
0x56: {  	_ =	swait.ge @!p2 [sflag:s6], $0x4000  }
0x57: {  	[sflag:s6] =	ssyncset.done @!p2 $0x0  }
0x58: {  	s5 =	sadd.s32 $0x180, s0;
	[sflag:s6] =	ssyncadd.s32 @!p2 $0xFFFFC000  }
0x59: {  	[tilespmem:s14], [sflag:$0x4] =	stream.indirect.gather [hbm4b:s2+s8], $0x80, s5, s8, $0xb8;
	[tilespmem:$0x15900] =	vst v63  }
0x5a: {  	s6 =	sadd.s32 $0x3, s28;
	_ =	swait.ge [sflag:s15], $0x4000  }
0x5b: {  	p2 =	sgt.u32 s6, $0x2C;
	s5 =	rddreg [dreg:$0x7];
	[sflag:s15] =	ssyncset.done $0x0  }
0x5c: {  	s6 =	simm.s32 @!p2 $0xA;
	[sflag:s15] =	ssyncadd.s32 $0xFFFFC000;
	s5 =	sadd.s32 s25, s5  }
0x5d: {  	[hbm4b:s5+s4] =	stream.linear.scatter [tilespmem:s12], [sflag:$0x8], $0x4000, $0x38;
	[tilespmem:$0x15900] =	vst v63  }
0x5e: {  	_ =	swait.ge @!p2 [sflag:s6], $0x4000  }
0x5f: {  	s1 =	smov.u32 s29;
	[sflag:s6] =	ssyncset.done @!p2 $0x0  }
0x60: {  	s29 =	sadd.s32 $0xA00, s29;
	s0 =	sadd.s32 $0x200, s0;
	[sflag:s6] =	ssyncadd.s32 @!p2 $0xFFFFC000  }
0x61: {  	[tilespmem:s16], [sflag:$0x5] =	stream.indirect.gather [hbm4b:s2+s8], $0x80, s0, s8, $0xb8;
	[tilespmem:$0x15900] =	vst v63  }
0x62: {  	p1 =	sne.s32 s29, $0x6400;
	_ =	swait.ge [sflag:s17], $0x4000  }
0x63: {  	p2 =	seq.s32 s26, $0x5A00;
	s6 =	rddreg [dreg:$0x6];
	[sflag:s17] =	ssyncset.done $0x0  }
0x64: {  	s5 =	simm.s32 @!p2 $0x6;
	[sflag:s17] =	ssyncadd.s32 $0xFFFFC000;
	s0 =	sadd.s32 s25, s6  }
0x65: {  	[hbm4b:s0+s4] =	stream.linear.scatter [tilespmem:s14], [sflag:$0x9], $0x4000, $0x38;
	[tilespmem:$0x15900] =	vst v63  }
0x66: {  	s6 =	sshra.s32 @!p2 s26, $0x2;
	s26 =	smov.u32 s1;
	_ =	swait.ge @!p2 [sflag:s5], $0x4000  }
0x67: {  	s1 =	simm.s32 @!p2 $0x80;
	s0 =	sadd.s32 @!p2 $0x280, s6;
	[sflag:s5] =	ssyncset.done @!p2 $0x0  }
.Ltmp0:
0x68: {  	s6 =	simm.s32 @!p2 $0x1900;
	[sflag:s5] =	ssyncadd.s32 @!p2 $0xFFFFC000;
	(pc) =	sbr.rel @p1 .LBB2_2-.Ltmp0, $4  }
0x69: {  	[tilespmem:s6], [sflag:$0x1] =	stream.indirect.gather @!p2 [hbm4b:s2+s1], $0x80, s0, s1, $0xb8;
	[tilespmem:$0x15900] =	vst v63  }
0x6a: {  	s31 =	smov.u32 s25;
	_ =	swait.ge [sflag:s18], $0x4000  }
0x6b: {  	s28 =	smov.u32 s30;
	s30 =	sadd.s32 $0x5, s30;
	[sflag:s18] =	ssyncset.done $0x0  }
0x6c: {  	s25 =	sadd.s32 $0x2800, s25;
	s0 =	rddreg [dreg:$0x5];
	[sflag:s18] =	ssyncadd.s32 $0xFFFFC000  }
0x6d: {  	s1 =	simm.s32 @!p0 $0x7;
	s0 =	sadd.s32 s31, s0  }
0x6e: {  	[hbm4b:s0+s4] =	stream.linear.scatter [tilespmem:s16], [sflag:$0xA], $0x4000, $0x38;
	[tilespmem:$0x15900] =	vst v63  }
0x6f: {  	_ =	swait.ge @!p0 [sflag:s1], $0x4000  }
0x70: {  	s0 =	sshra.s32 s26, $0x2;
	[sflag:s1] =	ssyncset.done @!p0 $0x0  }
0x71: {  	s30 =	sadd.s32 $0x80, s0;
	[sflag:s1] =	ssyncadd.s32 @!p0 $0xFFFFC000  }
0x72: {  	[tilespmem:s10], [sflag:$0x2] =	stream.indirect.gather [hbm4b:s2+s8], $0x80, s30, s8, $0xb8;
	[tilespmem:$0x15900] =	vst v63  }
0x73: {  	_ =	swait.ge [sflag:s11], $0x4000  }
0x74: {  	s5 =	sadd.s32 $0x1, s28;
	s31 =	rddreg [dreg:$0x4];
	[sflag:s11] =	ssyncset.done $0x0  }
0x75: {  	p0 =	sgt.u32 s5, $0x2C;
	[sflag:s11] =	ssyncadd.s32 $0xFFFFC000;
	s1 =	sadd.s32 s25, s31  }
0x76: {  	[hbm4b:s1+s4] =	stream.linear.scatter [tilespmem:s9], [sflag:$0x6], $0x4000, $0x38;
	[tilespmem:$0x15900] =	vst v63  }
0x77: {  	s1 =	simm.s32 @!p0 $0x8  }
0x78: {  	_ =	swait.ge @!p0 [sflag:s1], $0x4000  }
0x79: {  	[sflag:s1] =	ssyncset.done @!p0 $0x0  }
0x7a: {  	s6 =	sadd.s32 $0x100, s0;
	[sflag:s1] =	ssyncadd.s32 @!p0 $0xFFFFC000  }
0x7b: {  	[tilespmem:s12], [sflag:$0x3] =	stream.indirect.gather [hbm4b:s2+s8], $0x80, s6, s8, $0xb8;
	[tilespmem:$0x15900] =	vst v63  }
0x7c: {  	s30 =	sadd.s32 $0x2, s28;
	_ =	swait.ge [sflag:s13], $0x4000  }
0x7d: {  	p0 =	sgt.u32 s30, $0x2C;
	s29 =	rddreg [dreg:$0x8];
	[sflag:s13] =	ssyncset.done $0x0  }
0x7e: {  	s5 =	simm.s32 @!p0 $0x9;
	[sflag:s13] =	ssyncadd.s32 $0xFFFFC000;
	s1 =	sadd.s32 s25, s29  }
0x7f: {  	[hbm4b:s1+s4] =	stream.linear.scatter [tilespmem:s10], [sflag:$0x7], $0x4000, $0x38;
	[tilespmem:$0x15900] =	vst v63  }
0x80: {  	_ =	swait.ge @!p0 [sflag:s5], $0x4000  }
0x81: {  	[sflag:s5] =	ssyncset.done @!p0 $0x0  }
0x82: {  	s31 =	sadd.s32 $0x180, s0;
	[sflag:s5] =	ssyncadd.s32 @!p0 $0xFFFFC000  }
0x83: {  	[tilespmem:s14], [sflag:$0x4] =	stream.indirect.gather [hbm4b:s2+s8], $0x80, s31, s8, $0xb8;
	[tilespmem:$0x15900] =	vst v63  }
0x84: {  	s28 =	sadd.s32 $0x3, s28;
	_ =	swait.ge [sflag:s15], $0x4000  }
0x85: {  	p0 =	sgt.u32 s28, $0x2C;
	s6 =	rddreg [dreg:$0x7];
	[sflag:s15] =	ssyncset.done $0x0  }
0x86: {  	s5 =	simm.s32 @!p0 $0xA;
	[sflag:s15] =	ssyncadd.s32 $0xFFFFC000;
	s1 =	sadd.s32 s25, s6  }
0x87: {  	[hbm4b:s1+s4] =	stream.linear.scatter [tilespmem:s12], [sflag:$0x8], $0x4000, $0x38;
	[tilespmem:$0x15900] =	vst v63  }
0x88: {  	_ =	swait.ge @!p0 [sflag:s5], $0x4000  }
0x89: {  	[sflag:s5] =	ssyncset.done @!p0 $0x0  }
0x8a: {  	s0 =	sadd.s32 $0x200, s0;
	[sflag:s5] =	ssyncadd.s32 @!p0 $0xFFFFC000  }
0x8b: {  	[tilespmem:s16], [sflag:$0x5] =	stream.indirect.gather [hbm4b:s2+s8], $0x80, s0, s8, $0xb8;
	[tilespmem:$0x15900] =	vst v63  }
0x8c: {  	_ =	swait.ge [sflag:s17], $0x4000  }
0x8d: {  	p0 =	seq.s32 s26, $0x5A00;
	s29 =	rddreg [dreg:$0x6];
	[sflag:s17] =	ssyncset.done $0x0  }
0x8e: {  	s1 =	simm.s32 @!p0 $0x6;
	[sflag:s17] =	ssyncadd.s32 $0xFFFFC000;
	s0 =	sadd.s32 s25, s29  }
0x8f: {  	[hbm4b:s0+s4] =	stream.linear.scatter [tilespmem:s14], [sflag:$0x9], $0x4000, $0x38;
	[tilespmem:$0x15900] =	vst v63  }
0x90: {  	_ =	swait.ge @!p0 [sflag:s1], $0x4000  }
0x91: {  	s5 =	simm.s32 @!p0 $0x80;
	s0 =	sshra.s32 @!p0 s26, $0x2;
	[sflag:s1] =	ssyncset.done @!p0 $0x0  }
0x92: {  	s6 =	simm.s32 @!p0 $0x1900;
	s0 =	sadd.s32 @!p0 $0x280, s0;
	[sflag:s1] =	ssyncadd.s32 @!p0 $0xFFFFC000  }
0x93: {  	[tilespmem:s6], [sflag:$0x1] =	stream.indirect.gather @!p0 [hbm4b:s2+s5], $0x80, s0, s5, $0xb8;
	[tilespmem:$0x15900] =	vst v63  }
0x94: {  	_ =	swait.ge [sflag:s18], $0x4000  }
0x95: {  	s30 =	rddreg [dreg:$0x5];
	[sflag:s18] =	ssyncset.done $0x0  }
0x96: {  	[sflag:s18] =	ssyncadd.s32 $0xFFFFC000;
	s0 =	sadd.s32 s25, s30  }
0x97: {  	[hbm4b:s0+s4] =	stream.linear.scatter [tilespmem:s16], [sflag:$0xA], $0x4000, $0x38;
	[tilespmem:$0x15900] =	vst v63  }
0x98: {  	_ =	swait.ge [sflag:s19], $0x4000  }
0x99: {  	[sflag:s19] =	ssyncset.done $0x0  }
0x9a: {  	[sflag:s19] =	ssyncadd.s32 $0xFFFFC000  }
0x9b: {  	_ =	swait.ge [sflag:s20], $0x4000  }
0x9c: {  	[sflag:s20] =	ssyncset.done $0x0  }
0x9d: {  	[sflag:s20] =	ssyncadd.s32 $0xFFFFC000  }
0x9e: {  	_ =	swait.ge [sflag:s21], $0x4000  }
0x9f: {  	[sflag:s21] =	ssyncset.done $0x0  }
0xa0: {  	[sflag:s21] =	ssyncadd.s32 $0xFFFFC000  }
0xa1: {  	_ =	swait.ge [sflag:s22], $0x4000  }
0xa2: {  	[sflag:s22] =	ssyncset.done $0x0  }
0xa3: {  	[sflag:s22] =	ssyncadd.s32 $0xFFFFC000  }
0xa4: {  	_ =	swait.ge [sflag:s23], $0x4000  }
0xa5: {  	s24 =	sadd.s32 $0x1, s24;
	s31 =	rddreg [dreg:$0xa]  }
0xa6: {  	p0 =	sne.s32 s24, s31  }
.Ltmp1:
0xa7: {  	_ = 	snop;
	(pc) =	sbr.rel @p0 .LBB2_1-.Ltmp1, $3  }
0xa8: {  	_ =	sdelay $0x1  }
0xa9: {  	[sflag:s23] =	ssyncset.done $0x0  }
0xaa: {  	[sflag:s23] =	ssyncadd.s32 $0xFFFFC000  }
0xab: {  	_ =	sfence.sel $0x180000  }
0xac: {  	[bflag:$0x0] =	sbarrier.arrive $0xFFFF  }
0xad: {  	_ =	strace $0x90000047  }
0xae: {  	s0 =	stileid.u32;
	[bflag:$0x2] =	sbarrier.arrive $0xFFFF  }
0xaf: {  	p0 =	sne.s32 s0, $0x0;
	s0 =	rddreg [dreg:$0x3]  }
0xb0: {  	s0 =	sadd.s32 @!p0 $0x100000, s0  }
0xb1: {  	[sflag:s0] =	ssyncadd.tile.s32 @!p0 $0x1;
	_ =	shalt  }
.Lfunc_end2:
_tile_overlayer_lowered:
.L_overlay_start_2:
0xb2: {  	(tag) =	ssettag $0x2  }
0xb3: {  	s0 =	rddreg [dreg:$0x0];
	s2 =	stileid.u32  }
0xb4: {  	s1 =	rddreg [dreg:$0x1];
	p0 =	sne.s32 s2, $0x0  }
0xb5: {  	s3 =	rddreg [dreg:$0x2];
	[bflag:$0x3] =	sbarrier.arrive $0xFFFF;
	s2 =	simm.s32 @!p0 $0x1C0B  }
0xb6: {  	[timem:s3], [sflag:s2] =	dma.local @!p0 [hbm:s0], s1  }
0xb7: {  	s0 =	simm.s32 @!p0 $0xB  }
0xb8: {  	_ =	swait.ge @!p0 [sflag:s0], s1  }
0xb9: {  	s1 =	ssub.s32 @!p0 $0x0, s1;
	[sflag:s0] =	ssyncset.done @!p0 $0x0  }
0xba: {  	[sflag:s0] =	ssyncadd.s32 @!p0 s1  }
0xbb: {  	[bflag:$0x3] =	sbarrier.arrive $0xFFFF  }
0xbc: {  	_ =	shalt  }

// kernel: sparse-core-data-format-call.cloned.1.call-start
scs
called_computation_lowered:
.L_overlay_start_0:
0x0: {  	s2 =	sld [smem:$0x3FD9]  }
0x1: {  	s3 =	sld [smem:$0x3FFE];
	_ =	sdelay $0x1  }
0x2: {  	s1 =	srdreg.scid  }
0x3: {  	s0 =	sand.u32 $0x1, s1  }
0x4: {  	s18 =	sshll.u32 s0, $0xA;
	s2 =	sadd.s32 s3, s2  }
0x5: {  	s2 =	sadd.s32 s2, s18  }
0x6: {  	[smem:$0x3FC6] =	sst s2  }
0x7: {  	_ = 	snop  }
0x8: {  	s2 =	sld [smem:$0x3FD0];
	(tm) =	ssettm $0x1  }
0x9: {  	s19 =	sld [smem:$0x3FFB];
	_ =	sdelay $0x3  }
0xa: {  	_ =	strace s19  }
0xb: {  	s3 =	sld [smem:$0x3FFC];
	_ =	sdelay $0x3  }
0xc: {  	_ =	strace s3  }
0xd: {  	s3 =	sld [smem:$0x3FFD];
	_ =	sdelay $0x3  }
0xe: {  	_ =	strace s3  }
0xf: {  	_ =	strace $0x8FFFFFFF  }
0x10: {  	s20 =	sld [smem:$0x3FDB];
	_ =	sdelay $0x1  }
0x11: {  	s4 =	simm.s32 $_scs_section_size  }
0x12: {  	s5 =	simm.s32 $_size__tile_overlayer_lowered;
	s6 =	simm.s32 $_tile_overlayer_lowered  }
0x13: {  	s23 =	simm.s32 $0x1BFF;
	s22 =	sshll.u32 s6, $0x1;
	s3 =	sadd.s32 s4, s20  }
0x14: {  	s7 =	simm.s32 $0x0;
	s21 =	sshll.u32 s5, $0x1;
	s5 =	sadd.s32 s22, s3  }
0x15: {  	[timem:s7], [sflag:s23] =	dma.local [hbm:s5], s21  }
0x16: {  	_ =	swait.ge [sflag:s23], s21  }
0x17: {  	s4 =	ssub.s32 $0x0, s21;
	[sflag:s23] =	ssyncset.done $0x0  }
0x18: {  	[sflag:s23] =	ssyncadd.s32 s4;
	_ =	sdelay $0x1  }
0x19: {  	s24 =	simm.s32 $0x1B8B  }
0x1a: {  	_ =	swait.ge [sflag:s24], $0x1  }
0x1b: {  	[sflag:s24] =	ssyncset.done $0x0  }
0x1c: {  	s26 =	simm.s32 $0x1B8E;
	s25 =	sld [smem:$0x3FFE];
	[sflag:s24] =	ssyncadd.s32 $0xFFFFFFFF  }
0x1d: {  	s27 =	simm.s32 $execute0_lowered;
	[smem:$0x3FD2] =	sst s26  }
0x1e: {  	s5 =	sshll.u32 s27, $0x1;
	_ =	strace $0x80000049;
	[dreg:$0x1] =	wrdreg $0xFFFFFFFF  }
0x1f: {  	s28 =	simm.s32 $_size_execute0_lowered;
	s3 =	sadd.s32 s3, s5;
	[dreg:$0x0] =	wrdreg $0x0  }
0x20: {  	s5 =	sshll.u32 s28, $0x1;
	[dreg:$0x2] =	wrdreg s3  }
0x21: {  	[dreg:$0x3] =	wrdreg s5  }
0x22: {  	[dreg:$0x4] =	wrdreg $0xC0  }
0x23: {  	_ =	task [dreg:s7], $0x5FFFF  }
0x24: {  	[dreg:$0x1] =	wrdreg $0xFFFFFFFF  }
0x25: {  	[dreg:$0x0] =	wrdreg $0x60  }
0x26: {  	[dreg:$0x2] =	wrdreg s25  }
0x27: {  	[dreg:$0x3] =	wrdreg s2  }
0x28: {  	[dreg:$0x4] =	wrdreg $0x9  }
0x29: {  	_ =	task.clear_ibuf [dreg:s7], $0x5FFFF;
	_ =	strace $0x90000049  }
0x2a: {  	s29 =	simm.s32 $0x9;
	_ =	strace $0x8000004B  }
0x2b: {  	_ =	swait.ge [sflag:s29], $0x1  }
0x2c: {  	[sflag:s29] =	ssyncadd.s32 $0xFFFFFFFF  }
0x2d: {  	_ =	strace $0x9000004B  }
0x2e: {  	_ =	sfence  }
0x2f: {  	s30 =	sld [smem:$0x0];
	_ =	sdelay $0x2  }
0x30: {  	s31 =	sshll.u32 s1, $0xD;
	s1 =	sshrl.u32 s1, $0x2  }
0x31: {  	s3 =	sand.u32 $0x4000, s31;
	s1 =	sadd.s32 s1, s30  }
0x32: {  	s0 =	sor.u32 s3, s0;
	s1 =	sshll.u32 s1, $0x11  }
0x33: {  	s0 =	sor.u32 s1, s0  }
0x34: {  	s0 =	sadd.s32 $0x8F2B, s0  }
0x35: {  	[sflag:s0] =	ssyncadd.remote.s32 $0x1  }
0x36: {  	_ =	sfence.sel $0xFFFF  }
0x37: {  	[dreg:$0x0] =	wrdreg $0xFFFFFFFF;
	(pc) =	sbr.abs _section_cstart, $3  }
0x38: {  	[dreg:$0x1] =	wrdreg $0xFFFFFFFF  }
0x39: {  	_ =	task.clear_ibuf [dreg:s7], $0x2FFFF;
	_ =	strace $0x9FFFFFFF  }
0x3a: {  	(tm) =	ssettm $0x7FFFFFFF  }
0x3b: {  	_ =	shalt  }
tec
execute0_lowered:
.L_overlay_start_1:
0x0: {  	(tag) =	ssettag $0x1  }
0x1: {  	s0 =	srdreg.scid  }
0x2: {  	s1 =	sshll.u32 s0, $0x4  }
0x3: {  	s0 =	stileid.u32;
	s1 =	sand.u32 $0x10, s1  }
0x4: {  	s1 =	sor.u32 s0, s1  }
0x5: {  	s6 =	rddreg [dreg:$0x0];
	s4 =	simm.s32 $0x1;
	s2 =	sshll.u32 s1, $0x6  }
0x6: {  	s7 =	simm.s32 $0x2;
	s13 =	simm.s32 $0x0;
	s1 =	ssub.s32 $0x1000, s2  }
0x7: {  	s8 =	simm.s32 $0x2000;
	s9 =	simm.s32 $0x80000;
	s3 =	sand.u32 $0x7C0, s1  }
0x8: {  	s14 =	simm.s32 $0x0;
	s5 =	sshrl.u32 s1, $0xB;
	p0 =	sne.s32 s3, $0x0  }
.Ltmp0:
0x9: {  	s1 =	rddreg [dreg:$0x2];
	s4 =	simm.s32 @!p0 $0x0;
	(pc) =	sbr.rel .LBB1_1-.Ltmp0, $4  }
0xa: {  	s10 =	simm.s32 $0x0;
	s3 =	rddreg [dreg:$0x1];
	s5 =	sadd.s32 s4, s5  }
0xb: {  	_ =	strace $0x8000004A;
	s4 =	simm.s32 $0x1;
	s5 =	smul.u32 $0x19, s5  }
0xc: {  	s12 =	simm.s32 $0x0;
	s6 =	sadd.s32 $0x800, s6;
	[sflag:s4] =	ssyncpa.u1 $0x0  }
0xd: {  	s11 =	smov.u32 s2;
	[sflag:s7] =	ssyncpa.u1 $0x0;
	s7 =	sadd.s32 $0x1, s5  }
.LBB1_7:
0xe: {  	s15 =	sadd.s32 $0x2, s10  }
0xf: {  	s13 =	sadd.s32 $0x800, s11;
	s17 =	smov.u32 s11;
	p1 =	sgt.s32 s15, $0x31  }
0x10: {  	s17 =	smov.u32 @p1 s13  }
0x11: {  	s15 =	simm.s32 @p1 $0x0;
	p1 =	sgt.s32 s17, $0xFFF  }
0x12: {  	s17 =	smov.u32 @p1 s2;
	p1 =	sne.s32 s12, s7  }
.Ltmp1:
0x13: {  	p0 =	slt.u32 s12, $0x2;
	(pc) =	sbr.rel @!p1 .LBB1_8-.Ltmp1, $4  }
0x14: {  	s16 =	simm.s32 @!p0 $0x2  }
0x15: {  	s14 =	smov.u32 s11;
	_ =	swait.ge @!p0 [sflag:s16], $0x4000  }
0x16: {  	s13 =	smov.u32 s10;
	[sflag:s16] =	ssyncset.done @!p0 $0x0;
	s10 =	smov.u32 s15  }
0x17: {  	s12 =	sadd.s32 $0x1, s12;
	[sflag:s16] =	ssyncadd.s32 @!p0 $0xFFFFC000;
	s11 =	smov.u32 s17  }
.LBB1_1:
0x18: {  	p0 =	sge.u32 s12, s5  }
0x19: {  	s15 =	sand.u32 @!p0 $0x1FFFFFF, s10  }
0x1a: {  	s16 =	smulhi.u32 @!p0 $0x4924925, s15;
	_ =	sdelay $0x1  }
0x1b: {  	s16 =	smul.u32 @!p0 $0x38, s16  }
0x1c: {  	s17 =	sxor.u32 @!p0 $0xFFFFFFFF, s12;
	s18 =	smul.u32 @!p0 $0x380, s11  }
0x1d: {  	s31 =	sadd.s32 $0xFFFFFFFF, s12;
	s17 =	sshll.u32 @!p0 s17, $0xE;
	s15 =	ssub.s32 @!p0 s15, s16  }
0x1e: {  	s16 =	sand.u32 @!p0 $0x4000, s17;
	s17 =	sadd.s32 @!p0 s6, s18;
	s15 =	sshll.u32 @!p0 s15, $0x4  }
0x1f: {  	s18 =	simm.s32 @!p0 $0x1C00;
	s15 =	sadd.s32 @!p0 s15, s17;
	s17 =	simm.s32 @!p0 $0x100  }
0x20: {  	[tilespmem:s16], [sflag:$0x1] =	stream.strided.gather @!p0 [hbm4b:s15+s17], $0x4000, s18, s17, $0x38;
	[tilespmem:$0x10000] =	vst v63  }
0x21: {  	p0 =	sge.u32 s31, s5  }
.Ltmp2:
0x22: {  	_ = 	snop;
	(pc) =	sbr.rel @p0 .LBB1_7-.Ltmp2, $1  }
0x23: {  	_ =	sdelay $0x3  }
0x24: {  	_ =	swait.ge [sflag:s4], $0x4000;
	s15 =	sshll.u32 s12, $0xE  }
0x25: {  	[sflag:s4] =	ssyncset.done $0x0;
	s16 =	sand.u32 $0x4000, s15  }
0x26: {  	s17 =	simm.s32 $0x0;
	[sflag:s4] =	ssyncadd.s32 $0xFFFFC000;
	s15 =	sor.u32 $0x8000, s16  }
.LBB1_3:
0x27: {  	s18 =	sshll.u32 s17, $0x8  }
0x28: {  	s18 =	sand.u32 $0x3FFFFF00, s18  }
0x29: {  	s19 =	sshll.u32 s17, $0x7;
	s18 =	sadd.s32 s18, s16  }
0x2a: {  	s19 =	sand.u32 $0x3FFFFF80, s19;
	v0 =	vmov s18  }
0x2b: {  	s19 =	sadd.s32 s19, s15  }
0x2c: {  	p0 =	por $0x1, $0x1;
	v1 =	vmov s19;
	s18 =	simm.s32 $0x0  }
.LBB1_4:
0x2d: {  	s19 =	sshll.u32 s18, $0x7  }
0x2e: {  	s19 =	sand.u32 $0x3FFFFF80, s19  }
0x2f: {  	v2 =	vld.idx.msk [tilespmem:v0+s19+$0x0 ss:$0x1], $0xffff  }
0x30: {  	v3 =	vld.idx.msk [tilespmem:v0+s19+$0x10 ss:$0x1], $0xffff  }
0x31: {  	v4 =	vld.idx.msk [tilespmem:v0+s19+$0x20 ss:$0x1], $0xffff  }
0x32: {  	s31 =	sshll.u32 s18, $0xD;
	v5 =	vld.idx.msk [tilespmem:v0+s19+$0x30 ss:$0x1], $0xffff  }
0x33: {  	s18 =	sand.u32 $0x3FFFE000, s31;
	v6 =	vld.idx.msk [tilespmem:v0+s19+$0x40 ss:$0x1], $0xffff  }
0x34: {  	v63 =	vld.idx.msk [tilespmem:v0+s19+$0x70 ss:$0x1], $0xffff;
	[tilespmem:v1+s18+$0x0 ss:$0x1] =	vst.idx.msk $0xffff, v2  }
0x35: {  	v2 =	vld.idx.msk [tilespmem:v0+s19+$0x50 ss:$0x1], $0xffff;
	[tilespmem:v1+s18+$0x10 ss:$0x1] =	vst.idx.msk $0xffff, v3  }
0x36: {  	p1 =	por p0, p0;
	v3 =	vld.idx.msk [tilespmem:v0+s19+$0x60 ss:$0x1], $0xffff;
	[tilespmem:v1+s18+$0x20 ss:$0x1] =	vst.idx.msk $0xffff, v4  }
.Ltmp3:
0x37: {  	[tilespmem:v1+s18+$0x30 ss:$0x1] =	vst.idx.msk $0xffff, v5;
	(pc) =	sbr.rel @p1 .LBB1_4-.Ltmp3, $4  }
0x38: {  	[tilespmem:v1+s18+$0x40 ss:$0x1] =	vst.idx.msk $0xffff, v6  }
0x39: {  	[tilespmem:v1+s18+$0x70 ss:$0x1] =	vst.idx.msk $0xffff, v63  }
0x3a: {  	[tilespmem:v1+s18+$0x50 ss:$0x1] =	vst.idx.msk $0xffff, v2  }
0x3b: {  	p0 =	por $0x0, $0x0;
	[tilespmem:v1+s18+$0x60 ss:$0x1] =	vst.idx.msk $0xffff, v3;
	s18 =	simm.s32 $0x1  }
0x3c: {  	s17 =	sadd.s32 $0x1, s17  }
0x3d: {  	p0 =	sne.s32 s17, $0x40  }
.Ltmp4:
0x3e: {  	_ = 	snop;
	(pc) =	sbr.rel @p0 .LBB1_3-.Ltmp4, $1  }
0x3f: {  	_ =	sdelay $0x3  }
.Ltmp5:
0x40: {  	s14 =	sshll.u32 s14, $0x4;
	(pc) =	sbr.rel .LBB1_7-.Ltmp5, $4  }
0x41: {  	s14 =	sand.u32 $0xFFF0, s14  }
0x42: {  	s13 =	sshll.u32 s13, $0x10;
	s14 =	sadd.s32 s3, s14  }
0x43: {  	s13 =	sadd.s32 s13, s14  }
0x44: {  	[hbm4b:s13+s8] =	stream.strided.scatter [tilespmem:s15], [sflag:$0x2], $0x4000, s9, s8, $0x38;
	[tilespmem:$0x10000] =	vst v63  }
.LBB1_8:
0x45: {  	_ =	sfence.sel $0x180000  }
0x46: {  	s2 =	simm.s32 $0x1;
	[bflag:$0x0] =	sbarrier.arrive $0xFFFF  }
0x47: {  	s31 =	simm.s32 $0x2;
	[sflag:s2] =	ssyncpa.u1 $0x1  }
0x48: {  	[sflag:s31] =	ssyncpa.u1 $0x1  }
0x49: {  	p0 =	sne.s32 s0, $0x0;
	_ =	strace $0x9000004A  }
0x4a: {  	s0 =	sadd.s32 @!p0 $0x100000, s1;
	[bflag:$0x2] =	sbarrier.arrive $0xFFFF  }
0x4b: {  	[sflag:s0] =	ssyncadd.tile.s32 @!p0 $0x1;
	_ =	shalt  }
.Lfunc_end1:
_tile_overlayer_lowered:
.L_overlay_start_2:
0x4c: {  	(tag) =	ssettag $0x2  }
0x4d: {  	s0 =	rddreg [dreg:$0x0];
	s2 =	stileid.u32  }
0x4e: {  	s1 =	rddreg [dreg:$0x1];
	p0 =	sne.s32 s2, $0x0  }
0x4f: {  	s3 =	rddreg [dreg:$0x2];
	[bflag:$0x3] =	sbarrier.arrive $0xFFFF;
	s2 =	simm.s32 @!p0 $0x1C01  }
0x50: {  	[timem:s3], [sflag:s2] =	dma.local @!p0 [hbm:s0], s1  }
0x51: {  	s0 =	simm.s32 @!p0 $0x1  }
0x52: {  	_ =	swait.ge @!p0 [sflag:s0], s1  }
0x53: {  	s1 =	ssub.s32 @!p0 $0x0, s1;
	[sflag:s0] =	ssyncset.done @!p0 $0x0  }
0x54: {  	[sflag:s0] =	ssyncadd.s32 @!p0 s1  }
0x55: {  	[bflag:$0x3] =	sbarrier.arrive $0xFFFF  }
0x56: {  	_ =	shalt  }

</sc_bundles>
